<compile_context>
chip_gen: v7x
topology: tpu7x:2x2x1
jax: 0.10.2.dev20260603
libtpu: 0.0.44.dev20260713+nightly
codegen_flags: <defaults>
</compile_context>

<pallas_src>
import functools
import math

import jax
import jax.numpy as jnp
import numpy as np
from jax import lax
from jax.experimental import pallas as pl
from jax.experimental.pallas import tpu as pltpu
from jax.experimental.pallas import tpu_sc as plsc

_D_MODEL = 128
_N_BINS = 16
_LANES = 16
_N_WORKERS = 32
_CPS_PAD = 32


def _pe_table(d_model, length):
    position = np.arange(length, dtype=np.float32)[:, None]
    div_term = np.exp(np.arange(0, d_model, 2, dtype=np.float32)
                      * -(math.log(10000.0) / d_model))
    pe = np.zeros((length, d_model), dtype=np.float32)
    pe[:, 0::2] = np.sin(position * div_term)
    pe[:, 1::2] = np.cos(position * div_term)
    return pe


def _tc_body(xcols_ref, pebuf_ref, wpos_ref, xmark_ref, wte_ref,
             bpos_ref, bte_ref, cps_ref, q_ref, ei_ref, ef_ref, cps2_ref):
    pe_col = jnp.dot(pebuf_ref[:], wpos_ref[:],
                     preferred_element_type=jnp.float32)
    te_col = jnp.dot(xmark_ref[:], wte_ref[:],
                     preferred_element_type=jnp.float32)
    bias = bpos_ref[0] + bte_ref[0]
    pete = jnp.transpose(pe_col + te_col, (1, 0))
    u = xcols_ref[:] + pete + bias
    length = u.shape[1]
    k = 1
    while k < length:
        shifted = jnp.concatenate(
            [jnp.zeros(u.shape[:-1] + (k,), u.dtype), u[:, :length - k]],
            axis=1)
        u = u + shifted
        k *= 2
    q_ref[:] = u
    cps = cps_ref[:]
    lens = cps[:, 1:] - cps[:, :-1]
    m = jnp.max(lens)
    i = lax.broadcasted_iota(jnp.int32, (1, _N_BINS), 1)
    lo = jnp.right_shift(i * m, 4)
    hi = jnp.right_shift((i + 1) * m + 15, 4)
    ei_ref[:] = jnp.reshape(
        jnp.concatenate(
            [lo, hi, jnp.zeros((1, 128 - 2 * _N_BINS), jnp.int32)], axis=1),
        (128,))
    inv = 1.0 / (hi - lo).astype(jnp.float32)
    ef_ref[:] = jnp.reshape(
        jnp.concatenate(
            [inv, jnp.zeros((1, 128 - _N_BINS), jnp.float32)], axis=1),
        (128,))
    cps2_ref[:] = jnp.concatenate(
        [cps, jnp.zeros((cps.shape[0], 128 - cps.shape[1]), jnp.int32)],
        axis=1)


def _sc_body(n_rows, n_seg, q_hbm, cps_hbm, ei_hbm, ef_hbm, out_hbm,
             cp0_v, cp1_v, ei_v, ef_v, q0_v, q1_v, o0_v, o1_v, sem):
    wid = lax.axis_index("c") * 16 + lax.axis_index("s")
    n0 = wid
    n1 = wid + _N_WORKERS
    has2 = n1 < n_rows
    n1c = jnp.where(has2, n1, 0)
    copies = [
        pltpu.async_copy(cps_hbm.at[n0], cp0_v, sem),
        pltpu.async_copy(cps_hbm.at[n1c], cp1_v, sem),
        pltpu.async_copy(ei_hbm, ei_v, sem),
        pltpu.async_copy(ef_hbm, ef_v, sem),
        pltpu.async_copy(q_hbm.at[n0], q0_v, sem),
        pltpu.async_copy(q_hbm.at[n1c], q1_v, sem),
    ]
    for c in copies:
        c.wait()
    lo_vec = ei_v[pl.ds(0, _LANES)]
    hi_vec = ei_v[pl.ds(_LANES, _LANES)]
    inv_vec = ef_v[pl.ds(0, _LANES)]

    def do_row(cp_v, qrow_v, orow_v):
        en = None
        for s in range(n_seg):
            st = (plsc.load_gather(cp_v, [jnp.zeros((_LANES,), jnp.int32)])
                  if s == 0 else en)
            en = plsc.load_gather(cp_v, [jnp.full((_LANES,), s + 1, jnp.int32)])
            ln = en - st
            hidx = st + jnp.minimum(hi_vec, ln)
            lidx = st + jnp.minimum(lo_vec, ln)
            qh = plsc.load_gather(qrow_v, [hidx - 1])
            if s == 0:
                ql = plsc.load_gather(qrow_v, [jnp.maximum(lidx - 1, 0)])
                ql = jnp.where(lidx > 0, ql, 0.0)
            else:
                ql = plsc.load_gather(qrow_v, [lidx - 1])
            orow_v[pl.ds(s * _LANES, _LANES)] = (qh - ql) * inv_vec

    do_row(cp0_v, q0_v, o0_v)
    st0 = pltpu.async_copy(o0_v, out_hbm.at[n0], sem)
    do_row(cp1_v, q1_v, o1_v)

    @pl.when(has2)
    def _():
        pltpu.async_copy(o1_v, out_hbm.at[n1c], sem).wait()

    st0.wait()


def kernel(x, x_mark, change_points, W_pos, b_pos, W_te, b_te):
    batch, ts_len, ts_dim = x.shape
    n_rows = batch * ts_dim
    n_seg = change_points.shape[1] - 1

    xcols = jnp.transpose(x, (0, 2, 1)).reshape(n_rows, ts_len)
    pebuf = jnp.asarray(_pe_table(_D_MODEL, ts_len))

    vmem = pl.BlockSpec(memory_space=pltpu.VMEM)
    smem = pl.BlockSpec(memory_space=pltpu.SMEM)
    q, ei, ef, cps2 = pl.pallas_call(
        _tc_body,
        out_shape=[
            jax.ShapeDtypeStruct((n_rows, ts_len), jnp.float32),
            jax.ShapeDtypeStruct((128,), jnp.int32),
            jax.ShapeDtypeStruct((128,), jnp.float32),
            jax.ShapeDtypeStruct((n_rows, 128), jnp.int32),
        ],
        in_specs=[vmem, vmem, vmem, vmem, vmem, smem, smem, vmem],
    )(xcols, pebuf, W_pos, x_mark[0], W_te, b_pos, b_te, change_points)

    sc_fn = pl.kernel(
        functools.partial(_sc_body, n_rows, n_seg),
        out_type=jax.ShapeDtypeStruct((n_rows, n_seg * _N_BINS), jnp.float32),
        mesh=plsc.VectorSubcoreMesh(core_axis_name="c", subcore_axis_name="s"),
        compiler_params=pltpu.CompilerParams(needs_layout_passes=False),
        scratch_types=[
            pltpu.VMEM((128,), jnp.int32),
            pltpu.VMEM((128,), jnp.int32),
            pltpu.VMEM((8 * _N_BINS,), jnp.int32),
            pltpu.VMEM((8 * _N_BINS,), jnp.float32),
            pltpu.VMEM((ts_len,), jnp.float32),
            pltpu.VMEM((ts_len,), jnp.float32),
            pltpu.VMEM((n_seg * _N_BINS,), jnp.float32),
            pltpu.VMEM((n_seg * _N_BINS,), jnp.float32),
            pltpu.SemaphoreType.DMA,
        ],
    )
    out = sc_fn(q, cps2, ei, ef)
    return out.reshape(batch, ts_dim, n_seg, _N_BINS)

# --- scband reference (transcript-rebuilt; emitter-appended) ---
"""Pipeline reference for scband-enc-embedding-enc-15994458211136 (READ-ONLY COPY).

The authoritative reference and input builder live on the scoring server;
editing this copy changes nothing except your own understanding.
"""

import jax, jax.numpy as jnp
import numpy as np
import math

D_MODEL = 128
TS_DIM = 7
N_SEG = 16

def build_pe(d_model, max_len=5000):
    position = np.arange(max_len, dtype=np.float32)[:, None]
    div_term = np.exp(np.arange(0, d_model, 2, dtype=np.float32) * -(math.log(10000.0) / d_model))
    pe = np.zeros((max_len, d_model), dtype=np.float32)
    pe[:, 0::2] = np.sin(position * div_term)
    pe[:, 1::2] = np.cos(position * div_term)
    return jnp.asarray(pe)

def dynamic_patch(tensor, cps, max_length):
    # tensor [N, C, L], cps [N, S+1] -> [N, S, C, max_length] (zero padded per segment)
    N, C, L = tensor.shape
    S = cps.shape[1] - 1
    starts = cps[:, :-1]
    lengths = cps[:, 1:] - cps[:, :-1]
    k = jnp.arange(max_length)
    pos = starts[:, :, None] + k[None, None, :]
    mask = (k[None, None, :] < lengths[:, :, None]).astype(tensor.dtype)
    pos_c = jnp.clip(pos, 0, L - 1)
    t_b = jnp.broadcast_to(tensor[:, None, :, :], (N, S, C, L))
    idx = jnp.broadcast_to(pos_c[:, :, None, :], (N, S, C, max_length))
    seg = jnp.take_along_axis(t_b, idx, axis=3)
    return seg * mask[:, :, None, :]

def adaptive_avg_pool1d(x, out_size, Lin):
    # faithful torch AdaptiveAvgPool1d bin edges
    W = x.shape[-1]
    i = jnp.arange(out_size)
    s = (i * Lin) // out_size
    e = ((i + 1) * Lin + out_size - 1) // out_size
    j = jnp.arange(W)
    m = ((j[None, :] >= s[:, None]) & (j[None, :] < e[:, None])).astype(x.dtype)
    sums = jnp.sum(x[..., None, :] * m, axis=-1)
    return sums / (e - s).astype(x.dtype)

def setup_inputs(seed: int = 0) -> dict:
    key = jax.random.key(seed)
    ks = jax.random.split(key, 6)
    batch, ts_len = 8, 512
    N = batch * TS_DIM
    x = jax.random.normal(ks[0], (batch, ts_len, TS_DIM), jnp.float32)
    x_mark = jax.random.normal(ks[1], (1, ts_len, 4), jnp.float32)
    interior = jnp.sort(jax.random.randint(ks[2], (N, N_SEG - 1), 1, ts_len), axis=1).astype(jnp.int32)
    cps = jnp.concatenate([jnp.zeros((N, 1), jnp.int32), interior, jnp.full((N, 1), ts_len, jnp.int32)], axis=1)
    W_pos = jax.random.normal(ks[3], (D_MODEL, 1), jnp.float32) / jnp.sqrt(float(D_MODEL))
    b_pos = jnp.zeros((1,), jnp.float32)
    W_te = jax.random.normal(ks[4], (4, 1), jnp.float32) / 2.0
    b_te = jnp.zeros((1,), jnp.float32)
    return {"x": x, "x_mark": x_mark, "change_points": cps,
            "W_pos": W_pos, "b_pos": b_pos, "W_te": W_te, "b_te": b_te}

def reference(x, x_mark, change_points, W_pos, b_pos, W_te, b_te):
    batch, ts_len, ts_dim = x.shape
    N = batch * ts_dim
    S = change_points.shape[1] - 1
    max_length = jnp.max(change_points[:, 1:] - change_points[:, :-1])
    # positional embedding path
    pe_buf = build_pe(D_MODEL)[:ts_len]
    pe = (pe_buf @ W_pos + b_pos).T[None]  # [1,1,L]
    # value path
    x_p = jnp.transpose(x, (0, 2, 1)).reshape(N, 1, ts_len)
    x_seg = dynamic_patch(x_p, change_points, ts_len)[:, :, 0, :]
    x_embed = adaptive_avg_pool1d(x_seg, 16, max_length).reshape(batch, TS_DIM, S, 16)
    pe_rep = jnp.broadcast_to(pe, (N, 1, ts_len))
    pe_seg = dynamic_patch(pe_rep, change_points, ts_len)[:, :, 0, :]
    pe_embed = adaptive_avg_pool1d(pe_seg, 16, max_length).reshape(batch, TS_DIM, S, 16)
    # temporal embedding path
    xm = jnp.broadcast_to(x_mark, (N, ts_len, x_mark.shape[-1]))
    te = jnp.transpose(xm @ W_te + b_te, (0, 2, 1))  # [N,1,L]
    te_seg = dynamic_patch(te, change_points, ts_len)[:, :, 0, :]
    te_embed = adaptive_avg_pool1d(te_seg, 16, max_length).reshape(batch, TS_DIM, S, 16)
    # dropout is identity in eval mode
    return x_embed + pe_embed + te_embed

if __name__ == "__main__":
    import jax
    _d = setup_inputs()
    print(jax.jit(kernel)(*tuple(_d.values())))

</pallas_src>

<mosaic_0001>
#map = affine_map<(d0, d1) -> (0, 0)>
#map1 = affine_map<(d0, d1) -> (0)>
module attributes {stable_mosaic.version = 14 : i64} {
  func.func @_sc_body(%arg0: i32, %arg1: i32, %arg2: memref<56x512xf32, #tpu.memory_space<hbm>>, %arg3: memref<56x128xi32, #tpu.memory_space<hbm>>, %arg4: memref<128xi32, #tpu.memory_space<hbm>>, %arg5: memref<128xf32, #tpu.memory_space<hbm>>, %arg6: memref<56x256xf32, #tpu.memory_space<hbm>>, %arg7: memref<128xi32, #tpu.memory_space<vmem>>, %arg8: memref<128xi32, #tpu.memory_space<vmem>>, %arg9: memref<128xi32, #tpu.memory_space<vmem>>, %arg10: memref<128xf32, #tpu.memory_space<vmem>>, %arg11: memref<512xf32, #tpu.memory_space<vmem>>, %arg12: memref<512xf32, #tpu.memory_space<vmem>>, %arg13: memref<256xf32, #tpu.memory_space<vmem>>, %arg14: memref<256xf32, #tpu.memory_space<vmem>>, %arg15: memref<!tpu.dma_semaphore, #tpu.memory_space<semaphore_mem>>) attributes {dimension_semantics = [#tpu.dimension_semantics<core_parallel>, #tpu.dimension_semantics<subcore_parallel>], iteration_bounds = array<i64: 2, 16>, scalar_prefetch = 0 : i64, scratch_operands = 9 : i64, tpu.core_type = #tpu.core_type<sc_vector_subcore>, window_params = [{transform_indices = #map}, {transform_indices = #map}, {transform_indices = #map1}, {transform_indices = #map1}, {transform_indices = #map}]} {
    %mul3A = arith.constant 16 : i32
    %mul3A_0 = arith.muli %arg0, %mul3A : i32
    %add3A = arith.addi %mul3A_0, %arg1 : i32
    %add3A_1 = arith.constant 32 : i32
    %add3A_2 = arith.addi %add3A, %add3A_1 : i32
    %lt3A = arith.constant 56 : i32
    %lt3A_3 = arith.cmpi slt, %add3A_2, %lt3A : i32
    %jit3A = arith.constant 0 : i32
    %select_n3A = arith.select %lt3A_3, %add3A_2, %jit3A : i32
    %dma_start3A = arith.constant 0 : i32
    %dma_start3A_4 = tpu.memref_slice %arg3[%add3A, %dma_start3A] : memref<56x128xi32, #tpu.memory_space<hbm>> -> memref<1x128xi32, #tpu.memory_space<hbm>>
    %dma_start3A_5 = tpu.memref_squeeze %dma_start3A_4 : memref<1x128xi32, #tpu.memory_space<hbm>> -> memref<128xi32, #tpu.memory_space<hbm>>
    %dma_start3A_6 = arith.constant 0 : i32
    %dma_start3A_7 = tpu.memref_slice %arg3[%add3A, %dma_start3A_6] : memref<56x128xi32, #tpu.memory_space<hbm>> -> memref<1x128xi32, #tpu.memory_space<hbm>>
    %dma_start3A_8 = tpu.memref_squeeze %dma_start3A_7 : memref<1x128xi32, #tpu.memory_space<hbm>> -> memref<128xi32, #tpu.memory_space<hbm>>
    tpu.enqueue_dma source(%dma_start3A_8 : memref<128xi32, #tpu.memory_space<hbm>>) target(%arg7 : memref<128xi32, #tpu.memory_space<vmem>>) target_semaphore(%arg15 : memref<!tpu.dma_semaphore, #tpu.memory_space<semaphore_mem>>)
    %dma_start3A_9 = arith.constant 0 : i32
    %dma_start3A_10 = tpu.memref_slice %arg3[%select_n3A, %dma_start3A_9] : memref<56x128xi32, #tpu.memory_space<hbm>> -> memref<1x128xi32, #tpu.memory_space<hbm>>
    %dma_start3A_11 = tpu.memref_squeeze %dma_start3A_10 : memref<1x128xi32, #tpu.memory_space<hbm>> -> memref<128xi32, #tpu.memory_space<hbm>>
    %dma_start3A_12 = arith.constant 0 : i32
    %dma_start3A_13 = tpu.memref_slice %arg3[%select_n3A, %dma_start3A_12] : memref<56x128xi32, #tpu.memory_space<hbm>> -> memref<1x128xi32, #tpu.memory_space<hbm>>
    %dma_start3A_14 = tpu.memref_squeeze %dma_start3A_13 : memref<1x128xi32, #tpu.memory_space<hbm>> -> memref<128xi32, #tpu.memory_space<hbm>>
    tpu.enqueue_dma source(%dma_start3A_14 : memref<128xi32, #tpu.memory_space<hbm>>) target(%arg8 : memref<128xi32, #tpu.memory_space<vmem>>) target_semaphore(%arg15 : memref<!tpu.dma_semaphore, #tpu.memory_space<semaphore_mem>>)
    tpu.enqueue_dma source(%arg4 : memref<128xi32, #tpu.memory_space<hbm>>) target(%arg9 : memref<128xi32, #tpu.memory_space<vmem>>) target_semaphore(%arg15 : memref<!tpu.dma_semaphore, #tpu.memory_space<semaphore_mem>>)
    tpu.enqueue_dma source(%arg5 : memref<128xf32, #tpu.memory_space<hbm>>) target(%arg10 : memref<128xf32, #tpu.memory_space<vmem>>) target_semaphore(%arg15 : memref<!tpu.dma_semaphore, #tpu.memory_space<semaphore_mem>>)
    %dma_start3A_15 = arith.constant 0 : i32
    %dma_start3A_16 = tpu.memref_slice %arg2[%add3A, %dma_start3A_15] : memref<56x512xf32, #tpu.memory_space<hbm>> -> memref<1x512xf32, #tpu.memory_space<hbm>>
    %dma_start3A_17 = tpu.memref_squeeze %dma_start3A_16 : memref<1x512xf32, #tpu.memory_space<hbm>> -> memref<512xf32, #tpu.memory_space<hbm>>
    %dma_start3A_18 = arith.constant 0 : i32
    %dma_start3A_19 = tpu.memref_slice %arg2[%add3A, %dma_start3A_18] : memref<56x512xf32, #tpu.memory_space<hbm>> -> memref<1x512xf32, #tpu.memory_space<hbm>>
    %dma_start3A_20 = tpu.memref_squeeze %dma_start3A_19 : memref<1x512xf32, #tpu.memory_space<hbm>> -> memref<512xf32, #tpu.memory_space<hbm>>
    tpu.enqueue_dma source(%dma_start3A_20 : memref<512xf32, #tpu.memory_space<hbm>>) target(%arg11 : memref<512xf32, #tpu.memory_space<vmem>>) target_semaphore(%arg15 : memref<!tpu.dma_semaphore, #tpu.memory_space<semaphore_mem>>)
    %dma_start3A_21 = arith.constant 0 : i32
    %dma_start3A_22 = tpu.memref_slice %arg2[%select_n3A, %dma_start3A_21] : memref<56x512xf32, #tpu.memory_space<hbm>> -> memref<1x512xf32, #tpu.memory_space<hbm>>
    %dma_start3A_23 = tpu.memref_squeeze %dma_start3A_22 : memref<1x512xf32, #tpu.memory_space<hbm>> -> memref<512xf32, #tpu.memory_space<hbm>>
    %dma_start3A_24 = arith.constant 0 : i32
    %dma_start3A_25 = tpu.memref_slice %arg2[%select_n3A, %dma_start3A_24] : memref<56x512xf32, #tpu.memory_space<hbm>> -> memref<1x512xf32, #tpu.memory_space<hbm>>
    %dma_start3A_26 = tpu.memref_squeeze %dma_start3A_25 : memref<1x512xf32, #tpu.memory_space<hbm>> -> memref<512xf32, #tpu.memory_space<hbm>>
    tpu.enqueue_dma source(%dma_start3A_26 : memref<512xf32, #tpu.memory_space<hbm>>) target(%arg12 : memref<512xf32, #tpu.memory_space<vmem>>) target_semaphore(%arg15 : memref<!tpu.dma_semaphore, #tpu.memory_space<semaphore_mem>>)
    %dma_wait3A = arith.constant 0 : i32
    %dma_wait3A_27 = tpu.memref_slice %arg3[%add3A, %dma_wait3A] : memref<56x128xi32, #tpu.memory_space<hbm>> -> memref<1x128xi32, #tpu.memory_space<hbm>>
    %dma_wait3A_28 = tpu.memref_squeeze %dma_wait3A_27 : memref<1x128xi32, #tpu.memory_space<hbm>> -> memref<128xi32, #tpu.memory_space<hbm>>
    %dma_wait3A_29 = arith.constant 0 : i32
    %dma_wait3A_30 = tpu.memref_slice %arg3[%add3A, %dma_wait3A_29] : memref<56x128xi32, #tpu.memory_space<hbm>> -> memref<1x128xi32, #tpu.memory_space<hbm>>
    %dma_wait3A_31 = tpu.memref_squeeze %dma_wait3A_30 : memref<1x128xi32, #tpu.memory_space<hbm>> -> memref<128xi32, #tpu.memory_space<hbm>>
    tpu.wait_dma2 semaphore(%arg15 : memref<!tpu.dma_semaphore, #tpu.memory_space<semaphore_mem>>) src(%dma_wait3A_31 : memref<128xi32, #tpu.memory_space<hbm>>) dst(%arg7 : memref<128xi32, #tpu.memory_space<vmem>>)
    %dma_wait3A_32 = arith.constant 0 : i32
    %dma_wait3A_33 = tpu.memref_slice %arg3[%select_n3A, %dma_wait3A_32] : memref<56x128xi32, #tpu.memory_space<hbm>> -> memref<1x128xi32, #tpu.memory_space<hbm>>
    %dma_wait3A_34 = tpu.memref_squeeze %dma_wait3A_33 : memref<1x128xi32, #tpu.memory_space<hbm>> -> memref<128xi32, #tpu.memory_space<hbm>>
    %dma_wait3A_35 = arith.constant 0 : i32
    %dma_wait3A_36 = tpu.memref_slice %arg3[%select_n3A, %dma_wait3A_35] : memref<56x128xi32, #tpu.memory_space<hbm>> -> memref<1x128xi32, #tpu.memory_space<hbm>>
    %dma_wait3A_37 = tpu.memref_squeeze %dma_wait3A_36 : memref<1x128xi32, #tpu.memory_space<hbm>> -> memref<128xi32, #tpu.memory_space<hbm>>
    tpu.wait_dma2 semaphore(%arg15 : memref<!tpu.dma_semaphore, #tpu.memory_space<semaphore_mem>>) src(%dma_wait3A_37 : memref<128xi32, #tpu.memory_space<hbm>>) dst(%arg8 : memref<128xi32, #tpu.memory_space<vmem>>)
    tpu.wait_dma2 semaphore(%arg15 : memref<!tpu.dma_semaphore, #tpu.memory_space<semaphore_mem>>) src(%arg4 : memref<128xi32, #tpu.memory_space<hbm>>) dst(%arg9 : memref<128xi32, #tpu.memory_space<vmem>>)
    tpu.wait_dma2 semaphore(%arg15 : memref<!tpu.dma_semaphore, #tpu.memory_space<semaphore_mem>>) src(%arg5 : memref<128xf32, #tpu.memory_space<hbm>>) dst(%arg10 : memref<128xf32, #tpu.memory_space<vmem>>)
    %dma_wait3A_38 = arith.constant 0 : i32
    %dma_wait3A_39 = tpu.memref_slice %arg2[%add3A, %dma_wait3A_38] : memref<56x512xf32, #tpu.memory_space<hbm>> -> memref<1x512xf32, #tpu.memory_space<hbm>>
    %dma_wait3A_40 = tpu.memref_squeeze %dma_wait3A_39 : memref<1x512xf32, #tpu.memory_space<hbm>> -> memref<512xf32, #tpu.memory_space<hbm>>
    %dma_wait3A_41 = arith.constant 0 : i32
    %dma_wait3A_42 = tpu.memref_slice %arg2[%add3A, %dma_wait3A_41] : memref<56x512xf32, #tpu.memory_space<hbm>> -> memref<1x512xf32, #tpu.memory_space<hbm>>
    %dma_wait3A_43 = tpu.memref_squeeze %dma_wait3A_42 : memref<1x512xf32, #tpu.memory_space<hbm>> -> memref<512xf32, #tpu.memory_space<hbm>>
    tpu.wait_dma2 semaphore(%arg15 : memref<!tpu.dma_semaphore, #tpu.memory_space<semaphore_mem>>) src(%dma_wait3A_43 : memref<512xf32, #tpu.memory_space<hbm>>) dst(%arg11 : memref<512xf32, #tpu.memory_space<vmem>>)
    %dma_wait3A_44 = arith.constant 0 : i32
    %dma_wait3A_45 = tpu.memref_slice %arg2[%select_n3A, %dma_wait3A_44] : memref<56x512xf32, #tpu.memory_space<hbm>> -> memref<1x512xf32, #tpu.memory_space<hbm>>
    %dma_wait3A_46 = tpu.memref_squeeze %dma_wait3A_45 : memref<1x512xf32, #tpu.memory_space<hbm>> -> memref<512xf32, #tpu.memory_space<hbm>>
    %dma_wait3A_47 = arith.constant 0 : i32
    %dma_wait3A_48 = tpu.memref_slice %arg2[%select_n3A, %dma_wait3A_47] : memref<56x512xf32, #tpu.memory_space<hbm>> -> memref<1x512xf32, #tpu.memory_space<hbm>>
    %dma_wait3A_49 = tpu.memref_squeeze %dma_wait3A_48 : memref<1x512xf32, #tpu.memory_space<hbm>> -> memref<512xf32, #tpu.memory_space<hbm>>
    tpu.wait_dma2 semaphore(%arg15 : memref<!tpu.dma_semaphore, #tpu.memory_space<semaphore_mem>>) src(%dma_wait3A_49 : memref<512xf32, #tpu.memory_space<hbm>>) dst(%arg12 : memref<512xf32, #tpu.memory_space<vmem>>)
    %get3A = arith.constant 0 : index
    %get3A_50 = tpu.vector_load %arg9[%get3A] {strides = array<i32>} : memref<128xi32, #tpu.memory_space<vmem>>, vector<16xi32>,
    %get3A_51 = arith.constant 16 : index
    %get3A_52 = tpu.vector_load %arg9[%get3A_51] {strides = array<i32>} : memref<128xi32, #tpu.memory_space<vmem>>, vector<16xi32>,
    %get3A_53 = arith.constant 0 : index
    %get3A_54 = tpu.vector_load %arg10[%get3A_53] {strides = array<i32>} : memref<128xf32, #tpu.memory_space<vmem>>, vector<16xf32>,
    %broadcast_in_dim3A = arith.constant 0 : i32
    %broadcast_in_dim3A_55 = vector.broadcast %broadcast_in_dim3A : i32 to vector<16xi32>
    %gather3A = tpu.vector_load_idx %arg7[%broadcast_in_dim3A_55] : memref<128xi32, #tpu.memory_space<vmem>>[vector<16xi32>], vector<16xi32>,
    %broadcast_in_dim3A_56 = arith.constant 1 : i32
    %broadcast_in_dim3A_57 = vector.broadcast %broadcast_in_dim3A_56 : i32 to vector<16xi32>
    %gather3A_58 = tpu.vector_load_idx %arg7[%broadcast_in_dim3A_57] : memref<128xi32, #tpu.memory_space<vmem>>[vector<16xi32>], vector<16xi32>,
    %sub3A = arith.subi %gather3A_58, %gather3A : vector<16xi32>
    %min3A = arith.minsi %get3A_52, %sub3A : vector<16xi32>
    %add3A_59 = arith.addi %gather3A, %min3A : vector<16xi32>
    %min3A_60 = arith.minsi %get3A_50, %sub3A : vector<16xi32>
    %add3A_61 = arith.addi %gather3A, %min3A_60 : vector<16xi32>
    %sub3A_62 = arith.constant 1 : i32
    %sub3A_63 = vector.broadcast %sub3A_62 : i32 to vector<16xi32>
    %sub3A_64 = arith.subi %add3A_59, %sub3A_63 : vector<16xi32>
    %gather3A_65 = tpu.vector_load_idx %arg11[%sub3A_64] : memref<512xf32, #tpu.memory_space<vmem>>[vector<16xi32>], vector<16xf32>,
    %sub3A_66 = arith.constant 1 : i32
    %sub3A_67 = vector.broadcast %sub3A_66 : i32 to vector<16xi32>
    %sub3A_68 = arith.subi %add3A_61, %sub3A_67 : vector<16xi32>
    %max3A = arith.constant 0 : i32
    %max3A_69 = vector.broadcast %max3A : i32 to vector<16xi32>
    %max3A_70 = arith.maxsi %sub3A_68, %max3A_69 : vector<16xi32>
    %gather3A_71 = tpu.vector_load_idx %arg11[%max3A_70] : memref<512xf32, #tpu.memory_space<vmem>>[vector<16xi32>], vector<16xf32>,
    %gt3A = arith.constant 0 : i32
    %gt3A_72 = vector.broadcast %gt3A : i32 to vector<16xi32>
    %gt3A_73 = arith.cmpi sgt, %add3A_61, %gt3A_72 : vector<16xi32>
    %jit3A_74 = arith.constant 0.000000e+00 : f32
    %broadcast_in_dim3A_75 = vector.broadcast %jit3A_74 : f32 to vector<16xf32>
    %select_n3A_76 = arith.select %gt3A_73, %gather3A_71, %broadcast_in_dim3A_75 : vector<16xi1>, vector<16xf32>
    %sub3A_77 = arith.subf %gather3A_65, %select_n3A_76 : vector<16xf32>
    %mul3A_78 = arith.mulf %sub3A_77, %get3A_54 : vector<16xf32>
    %swap3A = arith.constant 0 : index
    %swap3A_79 = tpu.vector_load %arg13[%swap3A] {strides = array<i32>} : memref<256xf32, #tpu.memory_space<vmem>>, vector<16xf32>,
    tpu.vector_store %arg13[%swap3A], %mul3A_78 {strides = array<i32>} : memref<256xf32, #tpu.memory_space<vmem>>, vector<16xf32>,
    %broadcast_in_dim3A_80 = arith.constant 2 : i32
    %broadcast_in_dim3A_81 = vector.broadcast %broadcast_in_dim3A_80 : i32 to vector<16xi32>
    %gather3A_82 = tpu.vector_load_idx %arg7[%broadcast_in_dim3A_81] : memref<128xi32, #tpu.memory_space<vmem>>[vector<16xi32>], vector<16xi32>,
    %sub3A_83 = arith.subi %gather3A_82, %gather3A_58 : vector<16xi32>
    %min3A_84 = arith.minsi %get3A_52, %sub3A_83 : vector<16xi32>
    %add3A_85 = arith.addi %gather3A_58, %min3A_84 : vector<16xi32>
    %min3A_86 = arith.minsi %get3A_50, %sub3A_83 : vector<16xi32>
    %add3A_87 = arith.addi %gather3A_58, %min3A_86 : vector<16xi32>
    %sub3A_88 = arith.constant 1 : i32
    %sub3A_89 = vector.broadcast %sub3A_88 : i32 to vector<16xi32>
    %sub3A_90 = arith.subi %add3A_85, %sub3A_89 : vector<16xi32>
    %gather3A_91 = tpu.vector_load_idx %arg11[%sub3A_90] : memref<512xf32, #tpu.memory_space<vmem>>[vector<16xi32>], vector<16xf32>,
    %sub3A_92 = arith.constant 1 : i32
    %sub3A_93 = vector.broadcast %sub3A_92 : i32 to vector<16xi32>
    %sub3A_94 = arith.subi %add3A_87, %sub3A_93 : vector<16xi32>
    %gather3A_95 = tpu.vector_load_idx %arg11[%sub3A_94] : memref<512xf32, #tpu.memory_space<vmem>>[vector<16xi32>], vector<16xf32>,
    %sub3A_96 = arith.subf %gather3A_91, %gather3A_95 : vector<16xf32>
    %mul3A_97 = arith.mulf %sub3A_96, %get3A_54 : vector<16xf32>
    %swap3A_98 = arith.constant 16 : index
    %swap3A_99 = tpu.vector_load %arg13[%swap3A_98] {strides = array<i32>} : memref<256xf32, #tpu.memory_space<vmem>>, vector<16xf32>,
    tpu.vector_store %arg13[%swap3A_98], %mul3A_97 {strides = array<i32>} : memref<256xf32, #tpu.memory_space<vmem>>, vector<16xf32>,
    %broadcast_in_dim3A_100 = arith.constant 3 : i32
    %broadcast_in_dim3A_101 = vector.broadcast %broadcast_in_dim3A_100 : i32 to vector<16xi32>
    %gather3A_102 = tpu.vector_load_idx %arg7[%broadcast_in_dim3A_101] : memref<128xi32, #tpu.memory_space<vmem>>[vector<16xi32>], vector<16xi32>,
    %sub3A_103 = arith.subi %gather3A_102, %gather3A_82 : vector<16xi32>
    %min3A_104 = arith.minsi %get3A_52, %sub3A_103 : vector<16xi32>
    %add3A_105 = arith.addi %gather3A_82, %min3A_104 : vector<16xi32>
    %min3A_106 = arith.minsi %get3A_50, %sub3A_103 : vector<16xi32>
    %add3A_107 = arith.addi %gather3A_82, %min3A_106 : vector<16xi32>
    %sub3A_108 = arith.constant 1 : i32
    %sub3A_109 = vector.broadcast %sub3A_108 : i32 to vector<16xi32>
    %sub3A_110 = arith.subi %add3A_105, %sub3A_109 : vector<16xi32>
    %gather3A_111 = tpu.vector_load_idx %arg11[%sub3A_110] : memref<512xf32, #tpu.memory_space<vmem>>[vector<16xi32>], vector<16xf32>,
    %sub3A_112 = arith.constant 1 : i32
    %sub3A_113 = vector.broadcast %sub3A_112 : i32 to vector<16xi32>
    %sub3A_114 = arith.subi %add3A_107, %sub3A_113 : vector<16xi32>
    %gather3A_115 = tpu.vector_load_idx %arg11[%sub3A_114] : memref<512xf32, #tpu.memory_space<vmem>>[vector<16xi32>], vector<16xf32>,
    %sub3A_116 = arith.subf %gather3A_111, %gather3A_115 : vector<16xf32>
    %mul3A_117 = arith.mulf %sub3A_116, %get3A_54 : vector<16xf32>
    %swap3A_118 = arith.constant 32 : index
    %swap3A_119 = tpu.vector_load %arg13[%swap3A_118] {strides = array<i32>} : memref<256xf32, #tpu.memory_space<vmem>>, vector<16xf32>,
    tpu.vector_store %arg13[%swap3A_118], %mul3A_117 {strides = array<i32>} : memref<256xf32, #tpu.memory_space<vmem>>, vector<16xf32>,
    %broadcast_in_dim3A_120 = arith.constant 4 : i32
    %broadcast_in_dim3A_121 = vector.broadcast %broadcast_in_dim3A_120 : i32 to vector<16xi32>
    %gather3A_122 = tpu.vector_load_idx %arg7[%broadcast_in_dim3A_121] : memref<128xi32, #tpu.memory_space<vmem>>[vector<16xi32>], vector<16xi32>,
    %sub3A_123 = arith.subi %gather3A_122, %gather3A_102 : vector<16xi32>
    %min3A_124 = arith.minsi %get3A_52, %sub3A_123 : vector<16xi32>
    %add3A_125 = arith.addi %gather3A_102, %min3A_124 : vector<16xi32>
    %min3A_126 = arith.minsi %get3A_50, %sub3A_123 : vector<16xi32>
    %add3A_127 = arith.addi %gather3A_102, %min3A_126 : vector<16xi32>
    %sub3A_128 = arith.constant 1 : i32
    %sub3A_129 = vector.broadcast %sub3A_128 : i32 to vector<16xi32>
    %sub3A_130 = arith.subi %add3A_125, %sub3A_129 : vector<16xi32>
    %gather3A_131 = tpu.vector_load_idx %arg11[%sub3A_130] : memref<512xf32, #tpu.memory_space<vmem>>[vector<16xi32>], vector<16xf32>,
    %sub3A_132 = arith.constant 1 : i32
    %sub3A_133 = vector.broadcast %sub3A_132 : i32 to vector<16xi32>
    %sub3A_134 = arith.subi %add3A_127, %sub3A_133 : vector<16xi32>
    %gather3A_135 = tpu.vector_load_idx %arg11[%sub3A_134] : memref<512xf32, #tpu.memory_space<vmem>>[vector<16xi32>], vector<16xf32>,
    %sub3A_136 = arith.subf %gather3A_131, %gather3A_135 : vector<16xf32>
    %mul3A_137 = arith.mulf %sub3A_136, %get3A_54 : vector<16xf32>
    %swap3A_138 = arith.constant 48 : index
    %swap3A_139 = tpu.vector_load %arg13[%swap3A_138] {strides = array<i32>} : memref<256xf32, #tpu.memory_space<vmem>>, vector<16xf32>,
    tpu.vector_store %arg13[%swap3A_138], %mul3A_137 {strides = array<i32>} : memref<256xf32, #tpu.memory_space<vmem>>, vector<16xf32>,
    %broadcast_in_dim3A_140 = arith.constant 5 : i32
    %broadcast_in_dim3A_141 = vector.broadcast %broadcast_in_dim3A_140 : i32 to vector<16xi32>
    %gather3A_142 = tpu.vector_load_idx %arg7[%broadcast_in_dim3A_141] : memref<128xi32, #tpu.memory_space<vmem>>[vector<16xi32>], vector<16xi32>,
    %sub3A_143 = arith.subi %gather3A_142, %gather3A_122 : vector<16xi32>
    %min3A_144 = arith.minsi %get3A_52, %sub3A_143 : vector<16xi32>
    %add3A_145 = arith.addi %gather3A_122, %min3A_144 : vector<16xi32>
    %min3A_146 = arith.minsi %get3A_50, %sub3A_143 : vector<16xi32>
    %add3A_147 = arith.addi %gather3A_122, %min3A_146 : vector<16xi32>
    %sub3A_148 = arith.constant 1 : i32
    %sub3A_149 = vector.broadcast %sub3A_148 : i32 to vector<16xi32>
    %sub3A_150 = arith.subi %add3A_145, %sub3A_149 : vector<16xi32>
    %gather3A_151 = tpu.vector_load_idx %arg11[%sub3A_150] : memref<512xf32, #tpu.memory_space<vmem>>[vector<16xi32>], vector<16xf32>,
    %sub3A_152 = arith.constant 1 : i32
    %sub3A_153 = vector.broadcast %sub3A_152 : i32 to vector<16xi32>
    %sub3A_154 = arith.subi %add3A_147, %sub3A_153 : vector<16xi32>
    %gather3A_155 = tpu.vector_load_idx %arg11[%sub3A_154] : memref<512xf32, #tpu.memory_space<vmem>>[vector<16xi32>], vector<16xf32>,
    %sub3A_156 = arith.subf %gather3A_151, %gather3A_155 : vector<16xf32>
    %mul3A_157 = arith.mulf %sub3A_156, %get3A_54 : vector<16xf32>
    %swap3A_158 = arith.constant 64 : index
    %swap3A_159 = tpu.vector_load %arg13[%swap3A_158] {strides = array<i32>} : memref<256xf32, #tpu.memory_space<vmem>>, vector<16xf32>,
    tpu.vector_store %arg13[%swap3A_158], %mul3A_157 {strides = array<i32>} : memref<256xf32, #tpu.memory_space<vmem>>, vector<16xf32>,
    %broadcast_in_dim3A_160 = arith.constant 6 : i32
    %broadcast_in_dim3A_161 = vector.broadcast %broadcast_in_dim3A_160 : i32 to vector<16xi32>
    %gather3A_162 = tpu.vector_load_idx %arg7[%broadcast_in_dim3A_161] : memref<128xi32, #tpu.memory_space<vmem>>[vector<16xi32>], vector<16xi32>,
    %sub3A_163 = arith.subi %gather3A_162, %gather3A_142 : vector<16xi32>
    %min3A_164 = arith.minsi %get3A_52, %sub3A_163 : vector<16xi32>
    %add3A_165 = arith.addi %gather3A_142, %min3A_164 : vector<16xi32>
    %min3A_166 = arith.minsi %get3A_50, %sub3A_163 : vector<16xi32>
    %add3A_167 = arith.addi %gather3A_142, %min3A_166 : vector<16xi32>
    %sub3A_168 = arith.constant 1 : i32
    %sub3A_169 = vector.broadcast %sub3A_168 : i32 to vector<16xi32>
    %sub3A_170 = arith.subi %add3A_165, %sub3A_169 : vector<16xi32>
    %gather3A_171 = tpu.vector_load_idx %arg11[%sub3A_170] : memref<512xf32, #tpu.memory_space<vmem>>[vector<16xi32>], vector<16xf32>,
    %sub3A_172 = arith.constant 1 : i32
    %sub3A_173 = vector.broadcast %sub3A_172 : i32 to vector<16xi32>
    %sub3A_174 = arith.subi %add3A_167, %sub3A_173 : vector<16xi32>
    %gather3A_175 = tpu.vector_load_idx %arg11[%sub3A_174] : memref<512xf32, #tpu.memory_space<vmem>>[vector<16xi32>], vector<16xf32>,
    %sub3A_176 = arith.subf %gather3A_171, %gather3A_175 : vector<16xf32>
    %mul3A_177 = arith.mulf %sub3A_176, %get3A_54 : vector<16xf32>
    %swap3A_178 = arith.constant 80 : index
    %swap3A_179 = tpu.vector_load %arg13[%swap3A_178] {strides = array<i32>} : memref<256xf32, #tpu.memory_space<vmem>>, vector<16xf32>,
    tpu.vector_store %arg13[%swap3A_178], %mul3A_177 {strides = array<i32>} : memref<256xf32, #tpu.memory_space<vmem>>, vector<16xf32>,
    %broadcast_in_dim3A_180 = arith.constant 7 : i32
    %broadcast_in_dim3A_181 = vector.broadcast %broadcast_in_dim3A_180 : i32 to vector<16xi32>
    %gather3A_182 = tpu.vector_load_idx %arg7[%broadcast_in_dim3A_181] : memref<128xi32, #tpu.memory_space<vmem>>[vector<16xi32>], vector<16xi32>,
    %sub3A_183 = arith.subi %gather3A_182, %gather3A_162 : vector<16xi32>
    %min3A_184 = arith.minsi %get3A_52, %sub3A_183 : vector<16xi32>
    %add3A_185 = arith.addi %gather3A_162, %min3A_184 : vector<16xi32>
    %min3A_186 = arith.minsi %get3A_50, %sub3A_183 : vector<16xi32>
    %add3A_187 = arith.addi %gather3A_162, %min3A_186 : vector<16xi32>
    %sub3A_188 = arith.constant 1 : i32
    %sub3A_189 = vector.broadcast %sub3A_188 : i32 to vector<16xi32>
    %sub3A_190 = arith.subi %add3A_185, %sub3A_189 : vector<16xi32>
    %gather3A_191 = tpu.vector_load_idx %arg11[%sub3A_190] : memref<512xf32, #tpu.memory_space<vmem>>[vector<16xi32>], vector<16xf32>,
    %sub3A_192 = arith.constant 1 : i32
    %sub3A_193 = vector.broadcast %sub3A_192 : i32 to vector<16xi32>
    %sub3A_194 = arith.subi %add3A_187, %sub3A_193 : vector<16xi32>
    %gather3A_195 = tpu.vector_load_idx %arg11[%sub3A_194] : memref<512xf32, #tpu.memory_space<vmem>>[vector<16xi32>], vector<16xf32>,
    %sub3A_196 = arith.subf %gather3A_191, %gather3A_195 : vector<16xf32>
    %mul3A_197 = arith.mulf %sub3A_196, %get3A_54 : vector<16xf32>
    %swap3A_198 = arith.constant 96 : index
    %swap3A_199 = tpu.vector_load %arg13[%swap3A_198] {strides = array<i32>} : memref<256xf32, #tpu.memory_space<vmem>>, vector<16xf32>,
    tpu.vector_store %arg13[%swap3A_198], %mul3A_197 {strides = array<i32>} : memref<256xf32, #tpu.memory_space<vmem>>, vector<16xf32>,
    %broadcast_in_dim3A_200 = arith.constant 8 : i32
    %broadcast_in_dim3A_201 = vector.broadcast %broadcast_in_dim3A_200 : i32 to vector<16xi32>
    %gather3A_202 = tpu.vector_load_idx %arg7[%broadcast_in_dim3A_201] : memref<128xi32, #tpu.memory_space<vmem>>[vector<16xi32>], vector<16xi32>,
    %sub3A_203 = arith.subi %gather3A_202, %gather3A_182 : vector<16xi32>
    %min3A_204 = arith.minsi %get3A_52, %sub3A_203 : vector<16xi32>
    %add3A_205 = arith.addi %gather3A_182, %min3A_204 : vector<16xi32>
    %min3A_206 = arith.minsi %get3A_50, %sub3A_203 : vector<16xi32>
    %add3A_207 = arith.addi %gather3A_182, %min3A_206 : vector<16xi32>
    %sub3A_208 = arith.constant 1 : i32
    %sub3A_209 = vector.broadcast %sub3A_208 : i32 to vector<16xi32>
    %sub3A_210 = arith.subi %add3A_205, %sub3A_209 : vector<16xi32>
    %gather3A_211 = tpu.vector_load_idx %arg11[%sub3A_210] : memref<512xf32, #tpu.memory_space<vmem>>[vector<16xi32>], vector<16xf32>,
    %sub3A_212 = arith.constant 1 : i32
    %sub3A_213 = vector.broadcast %sub3A_212 : i32 to vector<16xi32>
    %sub3A_214 = arith.subi %add3A_207, %sub3A_213 : vector<16xi32>
    %gather3A_215 = tpu.vector_load_idx %arg11[%sub3A_214] : memref<512xf32, #tpu.memory_space<vmem>>[vector<16xi32>], vector<16xf32>,
    %sub3A_216 = arith.subf %gather3A_211, %gather3A_215 : vector<16xf32>
    %mul3A_217 = arith.mulf %sub3A_216, %get3A_54 : vector<16xf32>
    %swap3A_218 = arith.constant 112 : index
    %swap3A_219 = tpu.vector_load %arg13[%swap3A_218] {strides = array<i32>} : memref<256xf32, #tpu.memory_space<vmem>>, vector<16xf32>,
    tpu.vector_store %arg13[%swap3A_218], %mul3A_217 {strides = array<i32>} : memref<256xf32, #tpu.memory_space<vmem>>, vector<16xf32>,
    %broadcast_in_dim3A_220 = arith.constant 9 : i32
    %broadcast_in_dim3A_221 = vector.broadcast %broadcast_in_dim3A_220 : i32 to vector<16xi32>
    %gather3A_222 = tpu.vector_load_idx %arg7[%broadcast_in_dim3A_221] : memref<128xi32, #tpu.memory_space<vmem>>[vector<16xi32>], vector<16xi32>,
    %sub3A_223 = arith.subi %gather3A_222, %gather3A_202 : vector<16xi32>
    %min3A_224 = arith.minsi %get3A_52, %sub3A_223 : vector<16xi32>
    %add3A_225 = arith.addi %gather3A_202, %min3A_224 : vector<16xi32>
    %min3A_226 = arith.minsi %get3A_50, %sub3A_223 : vector<16xi32>
    %add3A_227 = arith.addi %gather3A_202, %min3A_226 : vector<16xi32>
    %sub3A_228 = arith.constant 1 : i32
    %sub3A_229 = vector.broadcast %sub3A_228 : i32 to vector<16xi32>
    %sub3A_230 = arith.subi %add3A_225, %sub3A_229 : vector<16xi32>
    %gather3A_231 = tpu.vector_load_idx %arg11[%sub3A_230] : memref<512xf32, #tpu.memory_space<vmem>>[vector<16xi32>], vector<16xf32>,
    %sub3A_232 = arith.constant 1 : i32
    %sub3A_233 = vector.broadcast %sub3A_232 : i32 to vector<16xi32>
    %sub3A_234 = arith.subi %add3A_227, %sub3A_233 : vector<16xi32>
    %gather3A_235 = tpu.vector_load_idx %arg11[%sub3A_234] : memref<512xf32, #tpu.memory_space<vmem>>[vector<16xi32>], vector<16xf32>,
    %sub3A_236 = arith.subf %gather3A_231, %gather3A_235 : vector<16xf32>
    %mul3A_237 = arith.mulf %sub3A_236, %get3A_54 : vector<16xf32>
    %swap3A_238 = arith.constant 128 : index
    %swap3A_239 = tpu.vector_load %arg13[%swap3A_238] {strides = array<i32>} : memref<256xf32, #tpu.memory_space<vmem>>, vector<16xf32>,
    tpu.vector_store %arg13[%swap3A_238], %mul3A_237 {strides = array<i32>} : memref<256xf32, #tpu.memory_space<vmem>>, vector<16xf32>,
    %broadcast_in_dim3A_240 = arith.constant 10 : i32
    %broadcast_in_dim3A_241 = vector.broadcast %broadcast_in_dim3A_240 : i32 to vector<16xi32>
    %gather3A_242 = tpu.vector_load_idx %arg7[%broadcast_in_dim3A_241] : memref<128xi32, #tpu.memory_space<vmem>>[vector<16xi32>], vector<16xi32>,
    %sub3A_243 = arith.subi %gather3A_242, %gather3A_222 : vector<16xi32>
    %min3A_244 = arith.minsi %get3A_52, %sub3A_243 : vector<16xi32>
    %add3A_245 = arith.addi %gather3A_222, %min3A_244 : vector<16xi32>
    %min3A_246 = arith.minsi %get3A_50, %sub3A_243 : vector<16xi32>
    %add3A_247 = arith.addi %gather3A_222, %min3A_246 : vector<16xi32>
    %sub3A_248 = arith.constant 1 : i32
    %sub3A_249 = vector.broadcast %sub3A_248 : i32 to vector<16xi32>
    %sub3A_250 = arith.subi %add3A_245, %sub3A_249 : vector<16xi32>
    %gather3A_251 = tpu.vector_load_idx %arg11[%sub3A_250] : memref<512xf32, #tpu.memory_space<vmem>>[vector<16xi32>], vector<16xf32>,
    %sub3A_252 = arith.constant 1 : i32
    %sub3A_253 = vector.broadcast %sub3A_252 : i32 to vector<16xi32>
    %sub3A_254 = arith.subi %add3A_247, %sub3A_253 : vector<16xi32>
    %gather3A_255 = tpu.vector_load_idx %arg11[%sub3A_254] : memref<512xf32, #tpu.memory_space<vmem>>[vector<16xi32>], vector<16xf32>,
    %sub3A_256 = arith.subf %gather3A_251, %gather3A_255 : vector<16xf32>
    %mul3A_257 = arith.mulf %sub3A_256, %get3A_54 : vector<16xf32>
    %swap3A_258 = arith.constant 144 : index
    %swap3A_259 = tpu.vector_load %arg13[%swap3A_258] {strides = array<i32>} : memref<256xf32, #tpu.memory_space<vmem>>, vector<16xf32>,
    tpu.vector_store %arg13[%swap3A_258], %mul3A_257 {strides = array<i32>} : memref<256xf32, #tpu.memory_space<vmem>>, vector<16xf32>,
    %broadcast_in_dim3A_260 = arith.constant 11 : i32
    %broadcast_in_dim3A_261 = vector.broadcast %broadcast_in_dim3A_260 : i32 to vector<16xi32>
    %gather3A_262 = tpu.vector_load_idx %arg7[%broadcast_in_dim3A_261] : memref<128xi32, #tpu.memory_space<vmem>>[vector<16xi32>], vector<16xi32>,
    %sub3A_263 = arith.subi %gather3A_262, %gather3A_242 : vector<16xi32>
    %min3A_264 = arith.minsi %get3A_52, %sub3A_263 : vector<16xi32>
    %add3A_265 = arith.addi %gather3A_242, %min3A_264 : vector<16xi32>
    %min3A_266 = arith.minsi %get3A_50, %sub3A_263 : vector<16xi32>
    %add3A_267 = arith.addi %gather3A_242, %min3A_266 : vector<16xi32>
    %sub3A_268 = arith.constant 1 : i32
    %sub3A_269 = vector.broadcast %sub3A_268 : i32 to vector<16xi32>
    %sub3A_270 = arith.subi %add3A_265, %sub3A_269 : vector<16xi32>
    %gather3A_271 = tpu.vector_load_idx %arg11[%sub3A_270] : memref<512xf32, #tpu.memory_space<vmem>>[vector<16xi32>], vector<16xf32>,
    %sub3A_272 = arith.constant 1 : i32
    %sub3A_273 = vector.broadcast %sub3A_272 : i32 to vector<16xi32>
    %sub3A_274 = arith.subi %add3A_267, %sub3A_273 : vector<16xi32>
    %gather3A_275 = tpu.vector_load_idx %arg11[%sub3A_274] : memref<512xf32, #tpu.memory_space<vmem>>[vector<16xi32>], vector<16xf32>,
    %sub3A_276 = arith.subf %gather3A_271, %gather3A_275 : vector<16xf32>
    %mul3A_277 = arith.mulf %sub3A_276, %get3A_54 : vector<16xf32>
    %swap3A_278 = arith.constant 160 : index
    %swap3A_279 = tpu.vector_load %arg13[%swap3A_278] {strides = array<i32>} : memref<256xf32, #tpu.memory_space<vmem>>, vector<16xf32>,
    tpu.vector_store %arg13[%swap3A_278], %mul3A_277 {strides = array<i32>} : memref<256xf32, #tpu.memory_space<vmem>>, vector<16xf32>,
    %broadcast_in_dim3A_280 = arith.constant 12 : i32
    %broadcast_in_dim3A_281 = vector.broadcast %broadcast_in_dim3A_280 : i32 to vector<16xi32>
    %gather3A_282 = tpu.vector_load_idx %arg7[%broadcast_in_dim3A_281] : memref<128xi32, #tpu.memory_space<vmem>>[vector<16xi32>], vector<16xi32>,
    %sub3A_283 = arith.subi %gather3A_282, %gather3A_262 : vector<16xi32>
    %min3A_284 = arith.minsi %get3A_52, %sub3A_283 : vector<16xi32>
    %add3A_285 = arith.addi %gather3A_262, %min3A_284 : vector<16xi32>
    %min3A_286 = arith.minsi %get3A_50, %sub3A_283 : vector<16xi32>
    %add3A_287 = arith.addi %gather3A_262, %min3A_286 : vector<16xi32>
    %sub3A_288 = arith.constant 1 : i32
    %sub3A_289 = vector.broadcast %sub3A_288 : i32 to vector<16xi32>
    %sub3A_290 = arith.subi %add3A_285, %sub3A_289 : vector<16xi32>
    %gather3A_291 = tpu.vector_load_idx %arg11[%sub3A_290] : memref<512xf32, #tpu.memory_space<vmem>>[vector<16xi32>], vector<16xf32>,
    %sub3A_292 = arith.constant 1 : i32
    %sub3A_293 = vector.broadcast %sub3A_292 : i32 to vector<16xi32>
    %sub3A_294 = arith.subi %add3A_287, %sub3A_293 : vector<16xi32>
    %gather3A_295 = tpu.vector_load_idx %arg11[%sub3A_294] : memref<512xf32, #tpu.memory_space<vmem>>[vector<16xi32>], vector<16xf32>,
    %sub3A_296 = arith.subf %gather3A_291, %gather3A_295 : vector<16xf32>
    %mul3A_297 = arith.mulf %sub3A_296, %get3A_54 : vector<16xf32>
    %swap3A_298 = arith.constant 176 : index
    %swap3A_299 = tpu.vector_load %arg13[%swap3A_298] {strides = array<i32>} : memref<256xf32, #tpu.memory_space<vmem>>, vector<16xf32>,
    tpu.vector_store %arg13[%swap3A_298], %mul3A_297 {strides = array<i32>} : memref<256xf32, #tpu.memory_space<vmem>>, vector<16xf32>,
    %broadcast_in_dim3A_300 = arith.constant 13 : i32
    %broadcast_in_dim3A_301 = vector.broadcast %broadcast_in_dim3A_300 : i32 to vector<16xi32>
    %gather3A_302 = tpu.vector_load_idx %arg7[%broadcast_in_dim3A_301] : memref<128xi32, #tpu.memory_space<vmem>>[vector<16xi32>], vector<16xi32>,
    %sub3A_303 = arith.subi %gather3A_302, %gather3A_282 : vector<16xi32>
    %min3A_304 = arith.minsi %get3A_52, %sub3A_303 : vector<16xi32>
    %add3A_305 = arith.addi %gather3A_282, %min3A_304 : vector<16xi32>
    %min3A_306 = arith.minsi %get3A_50, %sub3A_303 : vector<16xi32>
    %add3A_307 = arith.addi %gather3A_282, %min3A_306 : vector<16xi32>
    %sub3A_308 = arith.constant 1 : i32
    %sub3A_309 = vector.broadcast %sub3A_308 : i32 to vector<16xi32>
    %sub3A_310 = arith.subi %add3A_305, %sub3A_309 : vector<16xi32>
    %gather3A_311 = tpu.vector_load_idx %arg11[%sub3A_310] : memref<512xf32, #tpu.memory_space<vmem>>[vector<16xi32>], vector<16xf32>,
    %sub3A_312 = arith.constant 1 : i32
    %sub3A_313 = vector.broadcast %sub3A_312 : i32 to vector<16xi32>
    %sub3A_314 = arith.subi %add3A_307, %sub3A_313 : vector<16xi32>
    %gather3A_315 = tpu.vector_load_idx %arg11[%sub3A_314] : memref<512xf32, #tpu.memory_space<vmem>>[vector<16xi32>], vector<16xf32>,
    %sub3A_316 = arith.subf %gather3A_311, %gather3A_315 : vector<16xf32>
    %mul3A_317 = arith.mulf %sub3A_316, %get3A_54 : vector<16xf32>
    %swap3A_318 = arith.constant 192 : index
    %swap3A_319 = tpu.vector_load %arg13[%swap3A_318] {strides = array<i32>} : memref<256xf32, #tpu.memory_space<vmem>>, vector<16xf32>,
    tpu.vector_store %arg13[%swap3A_318], %mul3A_317 {strides = array<i32>} : memref<256xf32, #tpu.memory_space<vmem>>, vector<16xf32>,
    %broadcast_in_dim3A_320 = arith.constant 14 : i32
    %broadcast_in_dim3A_321 = vector.broadcast %broadcast_in_dim3A_320 : i32 to vector<16xi32>
    %gather3A_322 = tpu.vector_load_idx %arg7[%broadcast_in_dim3A_321] : memref<128xi32, #tpu.memory_space<vmem>>[vector<16xi32>], vector<16xi32>,
    %sub3A_323 = arith.subi %gather3A_322, %gather3A_302 : vector<16xi32>
    %min3A_324 = arith.minsi %get3A_52, %sub3A_323 : vector<16xi32>
    %add3A_325 = arith.addi %gather3A_302, %min3A_324 : vector<16xi32>
    %min3A_326 = arith.minsi %get3A_50, %sub3A_323 : vector<16xi32>
    %add3A_327 = arith.addi %gather3A_302, %min3A_326 : vector<16xi32>
    %sub3A_328 = arith.constant 1 : i32
    %sub3A_329 = vector.broadcast %sub3A_328 : i32 to vector<16xi32>
    %sub3A_330 = arith.subi %add3A_325, %sub3A_329 : vector<16xi32>
    %gather3A_331 = tpu.vector_load_idx %arg11[%sub3A_330] : memref<512xf32, #tpu.memory_space<vmem>>[vector<16xi32>], vector<16xf32>,
    %sub3A_332 = arith.constant 1 : i32
    %sub3A_333 = vector.broadcast %sub3A_332 : i32 to vector<16xi32>
    %sub3A_334 = arith.subi %add3A_327, %sub3A_333 : vector<16xi32>
    %gather3A_335 = tpu.vector_load_idx %arg11[%sub3A_334] : memref<512xf32, #tpu.memory_space<vmem>>[vector<16xi32>], vector<16xf32>,
    %sub3A_336 = arith.subf %gather3A_331, %gather3A_335 : vector<16xf32>
    %mul3A_337 = arith.mulf %sub3A_336, %get3A_54 : vector<16xf32>
    %swap3A_338 = arith.constant 208 : index
    %swap3A_339 = tpu.vector_load %arg13[%swap3A_338] {strides = array<i32>} : memref<256xf32, #tpu.memory_space<vmem>>, vector<16xf32>,
    tpu.vector_store %arg13[%swap3A_338], %mul3A_337 {strides = array<i32>} : memref<256xf32, #tpu.memory_space<vmem>>, vector<16xf32>,
    %broadcast_in_dim3A_340 = arith.constant 15 : i32
    %broadcast_in_dim3A_341 = vector.broadcast %broadcast_in_dim3A_340 : i32 to vector<16xi32>
    %gather3A_342 = tpu.vector_load_idx %arg7[%broadcast_in_dim3A_341] : memref<128xi32, #tpu.memory_space<vmem>>[vector<16xi32>], vector<16xi32>,
    %sub3A_343 = arith.subi %gather3A_342, %gather3A_322 : vector<16xi32>
    %min3A_344 = arith.minsi %get3A_52, %sub3A_343 : vector<16xi32>
    %add3A_345 = arith.addi %gather3A_322, %min3A_344 : vector<16xi32>
    %min3A_346 = arith.minsi %get3A_50, %sub3A_343 : vector<16xi32>
    %add3A_347 = arith.addi %gather3A_322, %min3A_346 : vector<16xi32>
    %sub3A_348 = arith.constant 1 : i32
    %sub3A_349 = vector.broadcast %sub3A_348 : i32 to vector<16xi32>
    %sub3A_350 = arith.subi %add3A_345, %sub3A_349 : vector<16xi32>
    %gather3A_351 = tpu.vector_load_idx %arg11[%sub3A_350] : memref<512xf32, #tpu.memory_space<vmem>>[vector<16xi32>], vector<16xf32>,
    %sub3A_352 = arith.constant 1 : i32
    %sub3A_353 = vector.broadcast %sub3A_352 : i32 to vector<16xi32>
    %sub3A_354 = arith.subi %add3A_347, %sub3A_353 : vector<16xi32>
    %gather3A_355 = tpu.vector_load_idx %arg11[%sub3A_354] : memref<512xf32, #tpu.memory_space<vmem>>[vector<16xi32>], vector<16xf32>,
    %sub3A_356 = arith.subf %gather3A_351, %gather3A_355 : vector<16xf32>
    %mul3A_357 = arith.mulf %sub3A_356, %get3A_54 : vector<16xf32>
    %swap3A_358 = arith.constant 224 : index
    %swap3A_359 = tpu.vector_load %arg13[%swap3A_358] {strides = array<i32>} : memref<256xf32, #tpu.memory_space<vmem>>, vector<16xf32>,
    tpu.vector_store %arg13[%swap3A_358], %mul3A_357 {strides = array<i32>} : memref<256xf32, #tpu.memory_space<vmem>>, vector<16xf32>,
    %broadcast_in_dim3A_360 = arith.constant 16 : i32
    %broadcast_in_dim3A_361 = vector.broadcast %broadcast_in_dim3A_360 : i32 to vector<16xi32>
    %gather3A_362 = tpu.vector_load_idx %arg7[%broadcast_in_dim3A_361] : memref<128xi32, #tpu.memory_space<vmem>>[vector<16xi32>], vector<16xi32>,
    %sub3A_363 = arith.subi %gather3A_362, %gather3A_342 : vector<16xi32>
    %min3A_364 = arith.minsi %get3A_52, %sub3A_363 : vector<16xi32>
    %add3A_365 = arith.addi %gather3A_342, %min3A_364 : vector<16xi32>
    %min3A_366 = arith.minsi %get3A_50, %sub3A_363 : vector<16xi32>
    %add3A_367 = arith.addi %gather3A_342, %min3A_366 : vector<16xi32>
    %sub3A_368 = arith.constant 1 : i32
    %sub3A_369 = vector.broadcast %sub3A_368 : i32 to vector<16xi32>
    %sub3A_370 = arith.subi %add3A_365, %sub3A_369 : vector<16xi32>
    %gather3A_371 = tpu.vector_load_idx %arg11[%sub3A_370] : memref<512xf32, #tpu.memory_space<vmem>>[vector<16xi32>], vector<16xf32>,
    %sub3A_372 = arith.constant 1 : i32
    %sub3A_373 = vector.broadcast %sub3A_372 : i32 to vector<16xi32>
    %sub3A_374 = arith.subi %add3A_367, %sub3A_373 : vector<16xi32>
    %gather3A_375 = tpu.vector_load_idx %arg11[%sub3A_374] : memref<512xf32, #tpu.memory_space<vmem>>[vector<16xi32>], vector<16xf32>,
    %sub3A_376 = arith.subf %gather3A_371, %gather3A_375 : vector<16xf32>
    %mul3A_377 = arith.mulf %sub3A_376, %get3A_54 : vector<16xf32>
    %swap3A_378 = arith.constant 240 : index
    %swap3A_379 = tpu.vector_load %arg13[%swap3A_378] {strides = array<i32>} : memref<256xf32, #tpu.memory_space<vmem>>, vector<16xf32>,
    tpu.vector_store %arg13[%swap3A_378], %mul3A_377 {strides = array<i32>} : memref<256xf32, #tpu.memory_space<vmem>>, vector<16xf32>,
    %dma_start3A_380 = arith.constant 0 : i32
    %dma_start3A_381 = tpu.memref_slice %arg6[%add3A, %dma_start3A_380] : memref<56x256xf32, #tpu.memory_space<hbm>> -> memref<1x256xf32, #tpu.memory_space<hbm>>
    %dma_start3A_382 = tpu.memref_squeeze %dma_start3A_381 : memref<1x256xf32, #tpu.memory_space<hbm>> -> memref<256xf32, #tpu.memory_space<hbm>>
    %dma_start3A_383 = arith.constant 0 : i32
    %dma_start3A_384 = tpu.memref_slice %arg6[%add3A, %dma_start3A_383] : memref<56x256xf32, #tpu.memory_space<hbm>> -> memref<1x256xf32, #tpu.memory_space<hbm>>
    %dma_start3A_385 = tpu.memref_squeeze %dma_start3A_384 : memref<1x256xf32, #tpu.memory_space<hbm>> -> memref<256xf32, #tpu.memory_space<hbm>>
    tpu.enqueue_dma source(%arg13 : memref<256xf32, #tpu.memory_space<vmem>>) target(%dma_start3A_385 : memref<256xf32, #tpu.memory_space<hbm>>) target_semaphore(%arg15 : memref<!tpu.dma_semaphore, #tpu.memory_space<semaphore_mem>>)
    %broadcast_in_dim3A_386 = arith.constant 0 : i32
    %broadcast_in_dim3A_387 = vector.broadcast %broadcast_in_dim3A_386 : i32 to vector<16xi32>
    %gather3A_388 = tpu.vector_load_idx %arg8[%broadcast_in_dim3A_387] : memref<128xi32, #tpu.memory_space<vmem>>[vector<16xi32>], vector<16xi32>,
    %broadcast_in_dim3A_389 = arith.constant 1 : i32
    %broadcast_in_dim3A_390 = vector.broadcast %broadcast_in_dim3A_389 : i32 to vector<16xi32>
    %gather3A_391 = tpu.vector_load_idx %arg8[%broadcast_in_dim3A_390] : memref<128xi32, #tpu.memory_space<vmem>>[vector<16xi32>], vector<16xi32>,
    %sub3A_392 = arith.subi %gather3A_391, %gather3A_388 : vector<16xi32>
    %min3A_393 = arith.minsi %get3A_52, %sub3A_392 : vector<16xi32>
    %add3A_394 = arith.addi %gather3A_388, %min3A_393 : vector<16xi32>
    %min3A_395 = arith.minsi %get3A_50, %sub3A_392 : vector<16xi32>
    %add3A_396 = arith.addi %gather3A_388, %min3A_395 : vector<16xi32>
    %sub3A_397 = arith.constant 1 : i32
    %sub3A_398 = vector.broadcast %sub3A_397 : i32 to vector<16xi32>
    %sub3A_399 = arith.subi %add3A_394, %sub3A_398 : vector<16xi32>
    %gather3A_400 = tpu.vector_load_idx %arg12[%sub3A_399] : memref<512xf32, #tpu.memory_space<vmem>>[vector<16xi32>], vector<16xf32>,
    %sub3A_401 = arith.constant 1 : i32
    %sub3A_402 = vector.broadcast %sub3A_401 : i32 to vector<16xi32>
    %sub3A_403 = arith.subi %add3A_396, %sub3A_402 : vector<16xi32>
    %max3A_404 = arith.constant 0 : i32
    %max3A_405 = vector.broadcast %max3A_404 : i32 to vector<16xi32>
    %max3A_406 = arith.maxsi %sub3A_403, %max3A_405 : vector<16xi32>
    %gather3A_407 = tpu.vector_load_idx %arg12[%max3A_406] : memref<512xf32, #tpu.memory_space<vmem>>[vector<16xi32>], vector<16xf32>,
    %gt3A_408 = arith.constant 0 : i32
    %gt3A_409 = vector.broadcast %gt3A_408 : i32 to vector<16xi32>
    %gt3A_410 = arith.cmpi sgt, %add3A_396, %gt3A_409 : vector<16xi32>
    %jit3A_411 = arith.constant 0.000000e+00 : f32
    %broadcast_in_dim3A_412 = vector.broadcast %jit3A_411 : f32 to vector<16xf32>
    %select_n3A_413 = arith.select %gt3A_410, %gather3A_407, %broadcast_in_dim3A_412 : vector<16xi1>, vector<16xf32>
    %sub3A_414 = arith.subf %gather3A_400, %select_n3A_413 : vector<16xf32>
    %mul3A_415 = arith.mulf %sub3A_414, %get3A_54 : vector<16xf32>
    %swap3A_416 = arith.constant 0 : index
    %swap3A_417 = tpu.vector_load %arg14[%swap3A_416] {strides = array<i32>} : memref<256xf32, #tpu.memory_space<vmem>>, vector<16xf32>,
    tpu.vector_store %arg14[%swap3A_416], %mul3A_415 {strides = array<i32>} : memref<256xf32, #tpu.memory_space<vmem>>, vector<16xf32>,
    %broadcast_in_dim3A_418 = arith.constant 2 : i32
    %broadcast_in_dim3A_419 = vector.broadcast %broadcast_in_dim3A_418 : i32 to vector<16xi32>
    %gather3A_420 = tpu.vector_load_idx %arg8[%broadcast_in_dim3A_419] : memref<128xi32, #tpu.memory_space<vmem>>[vector<16xi32>], vector<16xi32>,
    %sub3A_421 = arith.subi %gather3A_420, %gather3A_391 : vector<16xi32>
    %min3A_422 = arith.minsi %get3A_52, %sub3A_421 : vector<16xi32>
    %add3A_423 = arith.addi %gather3A_391, %min3A_422 : vector<16xi32>
    %min3A_424 = arith.minsi %get3A_50, %sub3A_421 : vector<16xi32>
    %add3A_425 = arith.addi %gather3A_391, %min3A_424 : vector<16xi32>
    %sub3A_426 = arith.constant 1 : i32
    %sub3A_427 = vector.broadcast %sub3A_426 : i32 to vector<16xi32>
    %sub3A_428 = arith.subi %add3A_423, %sub3A_427 : vector<16xi32>
    %gather3A_429 = tpu.vector_load_idx %arg12[%sub3A_428] : memref<512xf32, #tpu.memory_space<vmem>>[vector<16xi32>], vector<16xf32>,
    %sub3A_430 = arith.constant 1 : i32
    %sub3A_431 = vector.broadcast %sub3A_430 : i32 to vector<16xi32>
    %sub3A_432 = arith.subi %add3A_425, %sub3A_431 : vector<16xi32>
    %gather3A_433 = tpu.vector_load_idx %arg12[%sub3A_432] : memref<512xf32, #tpu.memory_space<vmem>>[vector<16xi32>], vector<16xf32>,
    %sub3A_434 = arith.subf %gather3A_429, %gather3A_433 : vector<16xf32>
    %mul3A_435 = arith.mulf %sub3A_434, %get3A_54 : vector<16xf32>
    %swap3A_436 = arith.constant 16 : index
    %swap3A_437 = tpu.vector_load %arg14[%swap3A_436] {strides = array<i32>} : memref<256xf32, #tpu.memory_space<vmem>>, vector<16xf32>,
    tpu.vector_store %arg14[%swap3A_436], %mul3A_435 {strides = array<i32>} : memref<256xf32, #tpu.memory_space<vmem>>, vector<16xf32>,
    %broadcast_in_dim3A_438 = arith.constant 3 : i32
    %broadcast_in_dim3A_439 = vector.broadcast %broadcast_in_dim3A_438 : i32 to vector<16xi32>
    %gather3A_440 = tpu.vector_load_idx %arg8[%broadcast_in_dim3A_439] : memref<128xi32, #tpu.memory_space<vmem>>[vector<16xi32>], vector<16xi32>,
    %sub3A_441 = arith.subi %gather3A_440, %gather3A_420 : vector<16xi32>
    %min3A_442 = arith.minsi %get3A_52, %sub3A_441 : vector<16xi32>
    %add3A_443 = arith.addi %gather3A_420, %min3A_442 : vector<16xi32>
    %min3A_444 = arith.minsi %get3A_50, %sub3A_441 : vector<16xi32>
    %add3A_445 = arith.addi %gather3A_420, %min3A_444 : vector<16xi32>
    %sub3A_446 = arith.constant 1 : i32
    %sub3A_447 = vector.broadcast %sub3A_446 : i32 to vector<16xi32>
    %sub3A_448 = arith.subi %add3A_443, %sub3A_447 : vector<16xi32>
    %gather3A_449 = tpu.vector_load_idx %arg12[%sub3A_448] : memref<512xf32, #tpu.memory_space<vmem>>[vector<16xi32>], vector<16xf32>,
    %sub3A_450 = arith.constant 1 : i32
    %sub3A_451 = vector.broadcast %sub3A_450 : i32 to vector<16xi32>
    %sub3A_452 = arith.subi %add3A_445, %sub3A_451 : vector<16xi32>
    %gather3A_453 = tpu.vector_load_idx %arg12[%sub3A_452] : memref<512xf32, #tpu.memory_space<vmem>>[vector<16xi32>], vector<16xf32>,
    %sub3A_454 = arith.subf %gather3A_449, %gather3A_453 : vector<16xf32>
    %mul3A_455 = arith.mulf %sub3A_454, %get3A_54 : vector<16xf32>
    %swap3A_456 = arith.constant 32 : index
    %swap3A_457 = tpu.vector_load %arg14[%swap3A_456] {strides = array<i32>} : memref<256xf32, #tpu.memory_space<vmem>>, vector<16xf32>,
    tpu.vector_store %arg14[%swap3A_456], %mul3A_455 {strides = array<i32>} : memref<256xf32, #tpu.memory_space<vmem>>, vector<16xf32>,
    %broadcast_in_dim3A_458 = arith.constant 4 : i32
    %broadcast_in_dim3A_459 = vector.broadcast %broadcast_in_dim3A_458 : i32 to vector<16xi32>
    %gather3A_460 = tpu.vector_load_idx %arg8[%broadcast_in_dim3A_459] : memref<128xi32, #tpu.memory_space<vmem>>[vector<16xi32>], vector<16xi32>,
    %sub3A_461 = arith.subi %gather3A_460, %gather3A_440 : vector<16xi32>
    %min3A_462 = arith.minsi %get3A_52, %sub3A_461 : vector<16xi32>
    %add3A_463 = arith.addi %gather3A_440, %min3A_462 : vector<16xi32>
    %min3A_464 = arith.minsi %get3A_50, %sub3A_461 : vector<16xi32>
    %add3A_465 = arith.addi %gather3A_440, %min3A_464 : vector<16xi32>
    %sub3A_466 = arith.constant 1 : i32
    %sub3A_467 = vector.broadcast %sub3A_466 : i32 to vector<16xi32>
    %sub3A_468 = arith.subi %add3A_463, %sub3A_467 : vector<16xi32>
    %gather3A_469 = tpu.vector_load_idx %arg12[%sub3A_468] : memref<512xf32, #tpu.memory_space<vmem>>[vector<16xi32>], vector<16xf32>,
    %sub3A_470 = arith.constant 1 : i32
    %sub3A_471 = vector.broadcast %sub3A_470 : i32 to vector<16xi32>
    %sub3A_472 = arith.subi %add3A_465, %sub3A_471 : vector<16xi32>
    %gather3A_473 = tpu.vector_load_idx %arg12[%sub3A_472] : memref<512xf32, #tpu.memory_space<vmem>>[vector<16xi32>], vector<16xf32>,
    %sub3A_474 = arith.subf %gather3A_469, %gather3A_473 : vector<16xf32>
    %mul3A_475 = arith.mulf %sub3A_474, %get3A_54 : vector<16xf32>
    %swap3A_476 = arith.constant 48 : index
    %swap3A_477 = tpu.vector_load %arg14[%swap3A_476] {strides = array<i32>} : memref<256xf32, #tpu.memory_space<vmem>>, vector<16xf32>,
    tpu.vector_store %arg14[%swap3A_476], %mul3A_475 {strides = array<i32>} : memref<256xf32, #tpu.memory_space<vmem>>, vector<16xf32>,
    %broadcast_in_dim3A_478 = arith.constant 5 : i32
    %broadcast_in_dim3A_479 = vector.broadcast %broadcast_in_dim3A_478 : i32 to vector<16xi32>
    %gather3A_480 = tpu.vector_load_idx %arg8[%broadcast_in_dim3A_479] : memref<128xi32, #tpu.memory_space<vmem>>[vector<16xi32>], vector<16xi32>,
    %sub3A_481 = arith.subi %gather3A_480, %gather3A_460 : vector<16xi32>
    %min3A_482 = arith.minsi %get3A_52, %sub3A_481 : vector<16xi32>
    %add3A_483 = arith.addi %gather3A_460, %min3A_482 : vector<16xi32>
    %min3A_484 = arith.minsi %get3A_50, %sub3A_481 : vector<16xi32>
    %add3A_485 = arith.addi %gather3A_460, %min3A_484 : vector<16xi32>
    %sub3A_486 = arith.constant 1 : i32
    %sub3A_487 = vector.broadcast %sub3A_486 : i32 to vector<16xi32>
    %sub3A_488 = arith.subi %add3A_483, %sub3A_487 : vector<16xi32>
    %gather3A_489 = tpu.vector_load_idx %arg12[%sub3A_488] : memref<512xf32, #tpu.memory_space<vmem>>[vector<16xi32>], vector<16xf32>,
    %sub3A_490 = arith.constant 1 : i32
    %sub3A_491 = vector.broadcast %sub3A_490 : i32 to vector<16xi32>
    %sub3A_492 = arith.subi %add3A_485, %sub3A_491 : vector<16xi32>
    %gather3A_493 = tpu.vector_load_idx %arg12[%sub3A_492] : memref<512xf32, #tpu.memory_space<vmem>>[vector<16xi32>], vector<16xf32>,
    %sub3A_494 = arith.subf %gather3A_489, %gather3A_493 : vector<16xf32>
    %mul3A_495 = arith.mulf %sub3A_494, %get3A_54 : vector<16xf32>
    %swap3A_496 = arith.constant 64 : index
    %swap3A_497 = tpu.vector_load %arg14[%swap3A_496] {strides = array<i32>} : memref<256xf32, #tpu.memory_space<vmem>>, vector<16xf32>,
    tpu.vector_store %arg14[%swap3A_496], %mul3A_495 {strides = array<i32>} : memref<256xf32, #tpu.memory_space<vmem>>, vector<16xf32>,
    %broadcast_in_dim3A_498 = arith.constant 6 : i32
    %broadcast_in_dim3A_499 = vector.broadcast %broadcast_in_dim3A_498 : i32 to vector<16xi32>
    %gather3A_500 = tpu.vector_load_idx %arg8[%broadcast_in_dim3A_499] : memref<128xi32, #tpu.memory_space<vmem>>[vector<16xi32>], vector<16xi32>,
    %sub3A_501 = arith.subi %gather3A_500, %gather3A_480 : vector<16xi32>
    %min3A_502 = arith.minsi %get3A_52, %sub3A_501 : vector<16xi32>
    %add3A_503 = arith.addi %gather3A_480, %min3A_502 : vector<16xi32>
    %min3A_504 = arith.minsi %get3A_50, %sub3A_501 : vector<16xi32>
    %add3A_505 = arith.addi %gather3A_480, %min3A_504 : vector<16xi32>
    %sub3A_506 = arith.constant 1 : i32
    %sub3A_507 = vector.broadcast %sub3A_506 : i32 to vector<16xi32>
    %sub3A_508 = arith.subi %add3A_503, %sub3A_507 : vector<16xi32>
    %gather3A_509 = tpu.vector_load_idx %arg12[%sub3A_508] : memref<512xf32, #tpu.memory_space<vmem>>[vector<16xi32>], vector<16xf32>,
    %sub3A_510 = arith.constant 1 : i32
    %sub3A_511 = vector.broadcast %sub3A_510 : i32 to vector<16xi32>
    %sub3A_512 = arith.subi %add3A_505, %sub3A_511 : vector<16xi32>
    %gather3A_513 = tpu.vector_load_idx %arg12[%sub3A_512] : memref<512xf32, #tpu.memory_space<vmem>>[vector<16xi32>], vector<16xf32>,
    %sub3A_514 = arith.subf %gather3A_509, %gather3A_513 : vector<16xf32>
    %mul3A_515 = arith.mulf %sub3A_514, %get3A_54 : vector<16xf32>
    %swap3A_516 = arith.constant 80 : index
    %swap3A_517 = tpu.vector_load %arg14[%swap3A_516] {strides = array<i32>} : memref<256xf32, #tpu.memory_space<vmem>>, vector<16xf32>,
    tpu.vector_store %arg14[%swap3A_516], %mul3A_515 {strides = array<i32>} : memref<256xf32, #tpu.memory_space<vmem>>, vector<16xf32>,
    %broadcast_in_dim3A_518 = arith.constant 7 : i32
    %broadcast_in_dim3A_519 = vector.broadcast %broadcast_in_dim3A_518 : i32 to vector<16xi32>
    %gather3A_520 = tpu.vector_load_idx %arg8[%broadcast_in_dim3A_519] : memref<128xi32, #tpu.memory_space<vmem>>[vector<16xi32>], vector<16xi32>,
    %sub3A_521 = arith.subi %gather3A_520, %gather3A_500 : vector<16xi32>
    %min3A_522 = arith.minsi %get3A_52, %sub3A_521 : vector<16xi32>
    %add3A_523 = arith.addi %gather3A_500, %min3A_522 : vector<16xi32>
    %min3A_524 = arith.minsi %get3A_50, %sub3A_521 : vector<16xi32>
    %add3A_525 = arith.addi %gather3A_500, %min3A_524 : vector<16xi32>
    %sub3A_526 = arith.constant 1 : i32
    %sub3A_527 = vector.broadcast %sub3A_526 : i32 to vector<16xi32>
    %sub3A_528 = arith.subi %add3A_523, %sub3A_527 : vector<16xi32>
    %gather3A_529 = tpu.vector_load_idx %arg12[%sub3A_528] : memref<512xf32, #tpu.memory_space<vmem>>[vector<16xi32>], vector<16xf32>,
    %sub3A_530 = arith.constant 1 : i32
    %sub3A_531 = vector.broadcast %sub3A_530 : i32 to vector<16xi32>
    %sub3A_532 = arith.subi %add3A_525, %sub3A_531 : vector<16xi32>
    %gather3A_533 = tpu.vector_load_idx %arg12[%sub3A_532] : memref<512xf32, #tpu.memory_space<vmem>>[vector<16xi32>], vector<16xf32>,
    %sub3A_534 = arith.subf %gather3A_529, %gather3A_533 : vector<16xf32>
    %mul3A_535 = arith.mulf %sub3A_534, %get3A_54 : vector<16xf32>
    %swap3A_536 = arith.constant 96 : index
    %swap3A_537 = tpu.vector_load %arg14[%swap3A_536] {strides = array<i32>} : memref<256xf32, #tpu.memory_space<vmem>>, vector<16xf32>,
    tpu.vector_store %arg14[%swap3A_536], %mul3A_535 {strides = array<i32>} : memref<256xf32, #tpu.memory_space<vmem>>, vector<16xf32>,
    %broadcast_in_dim3A_538 = arith.constant 8 : i32
    %broadcast_in_dim3A_539 = vector.broadcast %broadcast_in_dim3A_538 : i32 to vector<16xi32>
    %gather3A_540 = tpu.vector_load_idx %arg8[%broadcast_in_dim3A_539] : memref<128xi32, #tpu.memory_space<vmem>>[vector<16xi32>], vector<16xi32>,
    %sub3A_541 = arith.subi %gather3A_540, %gather3A_520 : vector<16xi32>
    %min3A_542 = arith.minsi %get3A_52, %sub3A_541 : vector<16xi32>
    %add3A_543 = arith.addi %gather3A_520, %min3A_542 : vector<16xi32>
    %min3A_544 = arith.minsi %get3A_50, %sub3A_541 : vector<16xi32>
    %add3A_545 = arith.addi %gather3A_520, %min3A_544 : vector<16xi32>
    %sub3A_546 = arith.constant 1 : i32
    %sub3A_547 = vector.broadcast %sub3A_546 : i32 to vector<16xi32>
    %sub3A_548 = arith.subi %add3A_543, %sub3A_547 : vector<16xi32>
    %gather3A_549 = tpu.vector_load_idx %arg12[%sub3A_548] : memref<512xf32, #tpu.memory_space<vmem>>[vector<16xi32>], vector<16xf32>,
    %sub3A_550 = arith.constant 1 : i32
    %sub3A_551 = vector.broadcast %sub3A_550 : i32 to vector<16xi32>
    %sub3A_552 = arith.subi %add3A_545, %sub3A_551 : vector<16xi32>
    %gather3A_553 = tpu.vector_load_idx %arg12[%sub3A_552] : memref<512xf32, #tpu.memory_space<vmem>>[vector<16xi32>], vector<16xf32>,
    %sub3A_554 = arith.subf %gather3A_549, %gather3A_553 : vector<16xf32>
    %mul3A_555 = arith.mulf %sub3A_554, %get3A_54 : vector<16xf32>
    %swap3A_556 = arith.constant 112 : index
    %swap3A_557 = tpu.vector_load %arg14[%swap3A_556] {strides = array<i32>} : memref<256xf32, #tpu.memory_space<vmem>>, vector<16xf32>,
    tpu.vector_store %arg14[%swap3A_556], %mul3A_555 {strides = array<i32>} : memref<256xf32, #tpu.memory_space<vmem>>, vector<16xf32>,
    %broadcast_in_dim3A_558 = arith.constant 9 : i32
    %broadcast_in_dim3A_559 = vector.broadcast %broadcast_in_dim3A_558 : i32 to vector<16xi32>
    %gather3A_560 = tpu.vector_load_idx %arg8[%broadcast_in_dim3A_559] : memref<128xi32, #tpu.memory_space<vmem>>[vector<16xi32>], vector<16xi32>,
    %sub3A_561 = arith.subi %gather3A_560, %gather3A_540 : vector<16xi32>
    %min3A_562 = arith.minsi %get3A_52, %sub3A_561 : vector<16xi32>
    %add3A_563 = arith.addi %gather3A_540, %min3A_562 : vector<16xi32>
    %min3A_564 = arith.minsi %get3A_50, %sub3A_561 : vector<16xi32>
    %add3A_565 = arith.addi %gather3A_540, %min3A_564 : vector<16xi32>
    %sub3A_566 = arith.constant 1 : i32
    %sub3A_567 = vector.broadcast %sub3A_566 : i32 to vector<16xi32>
    %sub3A_568 = arith.subi %add3A_563, %sub3A_567 : vector<16xi32>
    %gather3A_569 = tpu.vector_load_idx %arg12[%sub3A_568] : memref<512xf32, #tpu.memory_space<vmem>>[vector<16xi32>], vector<16xf32>,
    %sub3A_570 = arith.constant 1 : i32
    %sub3A_571 = vector.broadcast %sub3A_570 : i32 to vector<16xi32>
    %sub3A_572 = arith.subi %add3A_565, %sub3A_571 : vector<16xi32>
    %gather3A_573 = tpu.vector_load_idx %arg12[%sub3A_572] : memref<512xf32, #tpu.memory_space<vmem>>[vector<16xi32>], vector<16xf32>,
    %sub3A_574 = arith.subf %gather3A_569, %gather3A_573 : vector<16xf32>
    %mul3A_575 = arith.mulf %sub3A_574, %get3A_54 : vector<16xf32>
    %swap3A_576 = arith.constant 128 : index
    %swap3A_577 = tpu.vector_load %arg14[%swap3A_576] {strides = array<i32>} : memref<256xf32, #tpu.memory_space<vmem>>, vector<16xf32>,
    tpu.vector_store %arg14[%swap3A_576], %mul3A_575 {strides = array<i32>} : memref<256xf32, #tpu.memory_space<vmem>>, vector<16xf32>,
    %broadcast_in_dim3A_578 = arith.constant 10 : i32
    %broadcast_in_dim3A_579 = vector.broadcast %broadcast_in_dim3A_578 : i32 to vector<16xi32>
    %gather3A_580 = tpu.vector_load_idx %arg8[%broadcast_in_dim3A_579] : memref<128xi32, #tpu.memory_space<vmem>>[vector<16xi32>], vector<16xi32>,
    %sub3A_581 = arith.subi %gather3A_580, %gather3A_560 : vector<16xi32>
    %min3A_582 = arith.minsi %get3A_52, %sub3A_581 : vector<16xi32>
    %add3A_583 = arith.addi %gather3A_560, %min3A_582 : vector<16xi32>
    %min3A_584 = arith.minsi %get3A_50, %sub3A_581 : vector<16xi32>
    %add3A_585 = arith.addi %gather3A_560, %min3A_584 : vector<16xi32>
    %sub3A_586 = arith.constant 1 : i32
    %sub3A_587 = vector.broadcast %sub3A_586 : i32 to vector<16xi32>
    %sub3A_588 = arith.subi %add3A_583, %sub3A_587 : vector<16xi32>
    %gather3A_589 = tpu.vector_load_idx %arg12[%sub3A_588] : memref<512xf32, #tpu.memory_space<vmem>>[vector<16xi32>], vector<16xf32>,
    %sub3A_590 = arith.constant 1 : i32
    %sub3A_591 = vector.broadcast %sub3A_590 : i32 to vector<16xi32>
    %sub3A_592 = arith.subi %add3A_585, %sub3A_591 : vector<16xi32>
    %gather3A_593 = tpu.vector_load_idx %arg12[%sub3A_592] : memref<512xf32, #tpu.memory_space<vmem>>[vector<16xi32>], vector<16xf32>,
    %sub3A_594 = arith.subf %gather3A_589, %gather3A_593 : vector<16xf32>
    %mul3A_595 = arith.mulf %sub3A_594, %get3A_54 : vector<16xf32>
    %swap3A_596 = arith.constant 144 : index
    %swap3A_597 = tpu.vector_load %arg14[%swap3A_596] {strides = array<i32>} : memref<256xf32, #tpu.memory_space<vmem>>, vector<16xf32>,
    tpu.vector_store %arg14[%swap3A_596], %mul3A_595 {strides = array<i32>} : memref<256xf32, #tpu.memory_space<vmem>>, vector<16xf32>,
    %broadcast_in_dim3A_598 = arith.constant 11 : i32
    %broadcast_in_dim3A_599 = vector.broadcast %broadcast_in_dim3A_598 : i32 to vector<16xi32>
    %gather3A_600 = tpu.vector_load_idx %arg8[%broadcast_in_dim3A_599] : memref<128xi32, #tpu.memory_space<vmem>>[vector<16xi32>], vector<16xi32>,
    %sub3A_601 = arith.subi %gather3A_600, %gather3A_580 : vector<16xi32>
    %min3A_602 = arith.minsi %get3A_52, %sub3A_601 : vector<16xi32>
    %add3A_603 = arith.addi %gather3A_580, %min3A_602 : vector<16xi32>
    %min3A_604 = arith.minsi %get3A_50, %sub3A_601 : vector<16xi32>
    %add3A_605 = arith.addi %gather3A_580, %min3A_604 : vector<16xi32>
    %sub3A_606 = arith.constant 1 : i32
    %sub3A_607 = vector.broadcast %sub3A_606 : i32 to vector<16xi32>
    %sub3A_608 = arith.subi %add3A_603, %sub3A_607 : vector<16xi32>
    %gather3A_609 = tpu.vector_load_idx %arg12[%sub3A_608] : memref<512xf32, #tpu.memory_space<vmem>>[vector<16xi32>], vector<16xf32>,
    %sub3A_610 = arith.constant 1 : i32
    %sub3A_611 = vector.broadcast %sub3A_610 : i32 to vector<16xi32>
    %sub3A_612 = arith.subi %add3A_605, %sub3A_611 : vector<16xi32>
    %gather3A_613 = tpu.vector_load_idx %arg12[%sub3A_612] : memref<512xf32, #tpu.memory_space<vmem>>[vector<16xi32>], vector<16xf32>,
    %sub3A_614 = arith.subf %gather3A_609, %gather3A_613 : vector<16xf32>
    %mul3A_615 = arith.mulf %sub3A_614, %get3A_54 : vector<16xf32>
    %swap3A_616 = arith.constant 160 : index
    %swap3A_617 = tpu.vector_load %arg14[%swap3A_616] {strides = array<i32>} : memref<256xf32, #tpu.memory_space<vmem>>, vector<16xf32>,
    tpu.vector_store %arg14[%swap3A_616], %mul3A_615 {strides = array<i32>} : memref<256xf32, #tpu.memory_space<vmem>>, vector<16xf32>,
    %broadcast_in_dim3A_618 = arith.constant 12 : i32
    %broadcast_in_dim3A_619 = vector.broadcast %broadcast_in_dim3A_618 : i32 to vector<16xi32>
    %gather3A_620 = tpu.vector_load_idx %arg8[%broadcast_in_dim3A_619] : memref<128xi32, #tpu.memory_space<vmem>>[vector<16xi32>], vector<16xi32>,
    %sub3A_621 = arith.subi %gather3A_620, %gather3A_600 : vector<16xi32>
    %min3A_622 = arith.minsi %get3A_52, %sub3A_621 : vector<16xi32>
    %add3A_623 = arith.addi %gather3A_600, %min3A_622 : vector<16xi32>
    %min3A_624 = arith.minsi %get3A_50, %sub3A_621 : vector<16xi32>
    %add3A_625 = arith.addi %gather3A_600, %min3A_624 : vector<16xi32>
    %sub3A_626 = arith.constant 1 : i32
    %sub3A_627 = vector.broadcast %sub3A_626 : i32 to vector<16xi32>
    %sub3A_628 = arith.subi %add3A_623, %sub3A_627 : vector<16xi32>
    %gather3A_629 = tpu.vector_load_idx %arg12[%sub3A_628] : memref<512xf32, #tpu.memory_space<vmem>>[vector<16xi32>], vector<16xf32>,
    %sub3A_630 = arith.constant 1 : i32
    %sub3A_631 = vector.broadcast %sub3A_630 : i32 to vector<16xi32>
    %sub3A_632 = arith.subi %add3A_625, %sub3A_631 : vector<16xi32>
    %gather3A_633 = tpu.vector_load_idx %arg12[%sub3A_632] : memref<512xf32, #tpu.memory_space<vmem>>[vector<16xi32>], vector<16xf32>,
    %sub3A_634 = arith.subf %gather3A_629, %gather3A_633 : vector<16xf32>
    %mul3A_635 = arith.mulf %sub3A_634, %get3A_54 : vector<16xf32>
    %swap3A_636 = arith.constant 176 : index
    %swap3A_637 = tpu.vector_load %arg14[%swap3A_636] {strides = array<i32>} : memref<256xf32, #tpu.memory_space<vmem>>, vector<16xf32>,
    tpu.vector_store %arg14[%swap3A_636], %mul3A_635 {strides = array<i32>} : memref<256xf32, #tpu.memory_space<vmem>>, vector<16xf32>,
    %broadcast_in_dim3A_638 = arith.constant 13 : i32
    %broadcast_in_dim3A_639 = vector.broadcast %broadcast_in_dim3A_638 : i32 to vector<16xi32>
    %gather3A_640 = tpu.vector_load_idx %arg8[%broadcast_in_dim3A_639] : memref<128xi32, #tpu.memory_space<vmem>>[vector<16xi32>], vector<16xi32>,
    %sub3A_641 = arith.subi %gather3A_640, %gather3A_620 : vector<16xi32>
    %min3A_642 = arith.minsi %get3A_52, %sub3A_641 : vector<16xi32>
    %add3A_643 = arith.addi %gather3A_620, %min3A_642 : vector<16xi32>
    %min3A_644 = arith.minsi %get3A_50, %sub3A_641 : vector<16xi32>
    %add3A_645 = arith.addi %gather3A_620, %min3A_644 : vector<16xi32>
    %sub3A_646 = arith.constant 1 : i32
    %sub3A_647 = vector.broadcast %sub3A_646 : i32 to vector<16xi32>
    %sub3A_648 = arith.subi %add3A_643, %sub3A_647 : vector<16xi32>
    %gather3A_649 = tpu.vector_load_idx %arg12[%sub3A_648] : memref<512xf32, #tpu.memory_space<vmem>>[vector<16xi32>], vector<16xf32>,
    %sub3A_650 = arith.constant 1 : i32
    %sub3A_651 = vector.broadcast %sub3A_650 : i32 to vector<16xi32>
    %sub3A_652 = arith.subi %add3A_645, %sub3A_651 : vector<16xi32>
    %gather3A_653 = tpu.vector_load_idx %arg12[%sub3A_652] : memref<512xf32, #tpu.memory_space<vmem>>[vector<16xi32>], vector<16xf32>,
    %sub3A_654 = arith.subf %gather3A_649, %gather3A_653 : vector<16xf32>
    %mul3A_655 = arith.mulf %sub3A_654, %get3A_54 : vector<16xf32>
    %swap3A_656 = arith.constant 192 : index
    %swap3A_657 = tpu.vector_load %arg14[%swap3A_656] {strides = array<i32>} : memref<256xf32, #tpu.memory_space<vmem>>, vector<16xf32>,
    tpu.vector_store %arg14[%swap3A_656], %mul3A_655 {strides = array<i32>} : memref<256xf32, #tpu.memory_space<vmem>>, vector<16xf32>,
    %broadcast_in_dim3A_658 = arith.constant 14 : i32
    %broadcast_in_dim3A_659 = vector.broadcast %broadcast_in_dim3A_658 : i32 to vector<16xi32>
    %gather3A_660 = tpu.vector_load_idx %arg8[%broadcast_in_dim3A_659] : memref<128xi32, #tpu.memory_space<vmem>>[vector<16xi32>], vector<16xi32>,
    %sub3A_661 = arith.subi %gather3A_660, %gather3A_640 : vector<16xi32>
    %min3A_662 = arith.minsi %get3A_52, %sub3A_661 : vector<16xi32>
    %add3A_663 = arith.addi %gather3A_640, %min3A_662 : vector<16xi32>
    %min3A_664 = arith.minsi %get3A_50, %sub3A_661 : vector<16xi32>
    %add3A_665 = arith.addi %gather3A_640, %min3A_664 : vector<16xi32>
    %sub3A_666 = arith.constant 1 : i32
    %sub3A_667 = vector.broadcast %sub3A_666 : i32 to vector<16xi32>
    %sub3A_668 = arith.subi %add3A_663, %sub3A_667 : vector<16xi32>
    %gather3A_669 = tpu.vector_load_idx %arg12[%sub3A_668] : memref<512xf32, #tpu.memory_space<vmem>>[vector<16xi32>], vector<16xf32>,
    %sub3A_670 = arith.constant 1 : i32
    %sub3A_671 = vector.broadcast %sub3A_670 : i32 to vector<16xi32>
    %sub3A_672 = arith.subi %add3A_665, %sub3A_671 : vector<16xi32>
    %gather3A_673 = tpu.vector_load_idx %arg12[%sub3A_672] : memref<512xf32, #tpu.memory_space<vmem>>[vector<16xi32>], vector<16xf32>,
    %sub3A_674 = arith.subf %gather3A_669, %gather3A_673 : vector<16xf32>
    %mul3A_675 = arith.mulf %sub3A_674, %get3A_54 : vector<16xf32>
    %swap3A_676 = arith.constant 208 : index
    %swap3A_677 = tpu.vector_load %arg14[%swap3A_676] {strides = array<i32>} : memref<256xf32, #tpu.memory_space<vmem>>, vector<16xf32>,
    tpu.vector_store %arg14[%swap3A_676], %mul3A_675 {strides = array<i32>} : memref<256xf32, #tpu.memory_space<vmem>>, vector<16xf32>,
    %broadcast_in_dim3A_678 = arith.constant 15 : i32
    %broadcast_in_dim3A_679 = vector.broadcast %broadcast_in_dim3A_678 : i32 to vector<16xi32>
    %gather3A_680 = tpu.vector_load_idx %arg8[%broadcast_in_dim3A_679] : memref<128xi32, #tpu.memory_space<vmem>>[vector<16xi32>], vector<16xi32>,
    %sub3A_681 = arith.subi %gather3A_680, %gather3A_660 : vector<16xi32>
    %min3A_682 = arith.minsi %get3A_52, %sub3A_681 : vector<16xi32>
    %add3A_683 = arith.addi %gather3A_660, %min3A_682 : vector<16xi32>
    %min3A_684 = arith.minsi %get3A_50, %sub3A_681 : vector<16xi32>
    %add3A_685 = arith.addi %gather3A_660, %min3A_684 : vector<16xi32>
    %sub3A_686 = arith.constant 1 : i32
    %sub3A_687 = vector.broadcast %sub3A_686 : i32 to vector<16xi32>
    %sub3A_688 = arith.subi %add3A_683, %sub3A_687 : vector<16xi32>
    %gather3A_689 = tpu.vector_load_idx %arg12[%sub3A_688] : memref<512xf32, #tpu.memory_space<vmem>>[vector<16xi32>], vector<16xf32>,
    %sub3A_690 = arith.constant 1 : i32
    %sub3A_691 = vector.broadcast %sub3A_690 : i32 to vector<16xi32>
    %sub3A_692 = arith.subi %add3A_685, %sub3A_691 : vector<16xi32>
    %gather3A_693 = tpu.vector_load_idx %arg12[%sub3A_692] : memref<512xf32, #tpu.memory_space<vmem>>[vector<16xi32>], vector<16xf32>,
    %sub3A_694 = arith.subf %gather3A_689, %gather3A_693 : vector<16xf32>
    %mul3A_695 = arith.mulf %sub3A_694, %get3A_54 : vector<16xf32>
    %swap3A_696 = arith.constant 224 : index
    %swap3A_697 = tpu.vector_load %arg14[%swap3A_696] {strides = array<i32>} : memref<256xf32, #tpu.memory_space<vmem>>, vector<16xf32>,
    tpu.vector_store %arg14[%swap3A_696], %mul3A_695 {strides = array<i32>} : memref<256xf32, #tpu.memory_space<vmem>>, vector<16xf32>,
    %broadcast_in_dim3A_698 = arith.constant 16 : i32
    %broadcast_in_dim3A_699 = vector.broadcast %broadcast_in_dim3A_698 : i32 to vector<16xi32>
    %gather3A_700 = tpu.vector_load_idx %arg8[%broadcast_in_dim3A_699] : memref<128xi32, #tpu.memory_space<vmem>>[vector<16xi32>], vector<16xi32>,
    %sub3A_701 = arith.subi %gather3A_700, %gather3A_680 : vector<16xi32>
    %min3A_702 = arith.minsi %get3A_52, %sub3A_701 : vector<16xi32>
    %add3A_703 = arith.addi %gather3A_680, %min3A_702 : vector<16xi32>
    %min3A_704 = arith.minsi %get3A_50, %sub3A_701 : vector<16xi32>
    %add3A_705 = arith.addi %gather3A_680, %min3A_704 : vector<16xi32>
    %sub3A_706 = arith.constant 1 : i32
    %sub3A_707 = vector.broadcast %sub3A_706 : i32 to vector<16xi32>
    %sub3A_708 = arith.subi %add3A_703, %sub3A_707 : vector<16xi32>
    %gather3A_709 = tpu.vector_load_idx %arg12[%sub3A_708] : memref<512xf32, #tpu.memory_space<vmem>>[vector<16xi32>], vector<16xf32>,
    %sub3A_710 = arith.constant 1 : i32
    %sub3A_711 = vector.broadcast %sub3A_710 : i32 to vector<16xi32>
    %sub3A_712 = arith.subi %add3A_705, %sub3A_711 : vector<16xi32>
    %gather3A_713 = tpu.vector_load_idx %arg12[%sub3A_712] : memref<512xf32, #tpu.memory_space<vmem>>[vector<16xi32>], vector<16xf32>,
    %sub3A_714 = arith.subf %gather3A_709, %gather3A_713 : vector<16xf32>
    %mul3A_715 = arith.mulf %sub3A_714, %get3A_54 : vector<16xf32>
    %swap3A_716 = arith.constant 240 : index
    %swap3A_717 = tpu.vector_load %arg14[%swap3A_716] {strides = array<i32>} : memref<256xf32, #tpu.memory_space<vmem>>, vector<16xf32>,
    tpu.vector_store %arg14[%swap3A_716], %mul3A_715 {strides = array<i32>} : memref<256xf32, #tpu.memory_space<vmem>>, vector<16xf32>,
    %convert_element_type3A = arith.extui %lt3A_3 : i1 to i32
    %cond3A = arith.constant 0 : i32
    %cond3A_718 = arith.cmpi ne, %convert_element_type3A, %cond3A : i32
    scf.if %cond3A_718 {
      %dma_start3A_725 = arith.constant 0 : i32
      %dma_start3A_726 = tpu.memref_slice %arg6[%select_n3A, %dma_start3A_725] : memref<56x256xf32, #tpu.memory_space<hbm>> -> memref<1x256xf32, #tpu.memory_space<hbm>>
      %dma_start3A_727 = tpu.memref_squeeze %dma_start3A_726 : memref<1x256xf32, #tpu.memory_space<hbm>> -> memref<256xf32, #tpu.memory_space<hbm>>
      %dma_start3A_728 = arith.constant 0 : i32
      %dma_start3A_729 = tpu.memref_slice %arg6[%select_n3A, %dma_start3A_728] : memref<56x256xf32, #tpu.memory_space<hbm>> -> memref<1x256xf32, #tpu.memory_space<hbm>>
      %dma_start3A_730 = tpu.memref_squeeze %dma_start3A_729 : memref<1x256xf32, #tpu.memory_space<hbm>> -> memref<256xf32, #tpu.memory_space<hbm>>
      tpu.enqueue_dma source(%arg14 : memref<256xf32, #tpu.memory_space<vmem>>) target(%dma_start3A_730 : memref<256xf32, #tpu.memory_space<hbm>>) target_semaphore(%arg15 : memref<!tpu.dma_semaphore, #tpu.memory_space<semaphore_mem>>)
      %dma_wait3A_731 = arith.constant 0 : i32
      %dma_wait3A_732 = tpu.memref_slice %arg6[%select_n3A, %dma_wait3A_731] : memref<56x256xf32, #tpu.memory_space<hbm>> -> memref<1x256xf32, #tpu.memory_space<hbm>>
      %dma_wait3A_733 = tpu.memref_squeeze %dma_wait3A_732 : memref<1x256xf32, #tpu.memory_space<hbm>> -> memref<256xf32, #tpu.memory_space<hbm>>
      %dma_wait3A_734 = arith.constant 0 : i32
      %dma_wait3A_735 = tpu.memref_slice %arg6[%select_n3A, %dma_wait3A_734] : memref<56x256xf32, #tpu.memory_space<hbm>> -> memref<1x256xf32, #tpu.memory_space<hbm>>
      %dma_wait3A_736 = tpu.memref_squeeze %dma_wait3A_735 : memref<1x256xf32, #tpu.memory_space<hbm>> -> memref<256xf32, #tpu.memory_space<hbm>>
      tpu.wait_dma2 semaphore(%arg15 : memref<!tpu.dma_semaphore, #tpu.memory_space<semaphore_mem>>) src(%arg14 : memref<256xf32, #tpu.memory_space<vmem>>) dst(%dma_wait3A_736 : memref<256xf32, #tpu.memory_space<hbm>>)
    } else {
    }
    %dma_wait3A_719 = arith.constant 0 : i32
    %dma_wait3A_720 = tpu.memref_slice %arg6[%add3A, %dma_wait3A_719] : memref<56x256xf32, #tpu.memory_space<hbm>> -> memref<1x256xf32, #tpu.memory_space<hbm>>
    %dma_wait3A_721 = tpu.memref_squeeze %dma_wait3A_720 : memref<1x256xf32, #tpu.memory_space<hbm>> -> memref<256xf32, #tpu.memory_space<hbm>>
    %dma_wait3A_722 = arith.constant 0 : i32
    %dma_wait3A_723 = tpu.memref_slice %arg6[%add3A, %dma_wait3A_722] : memref<56x256xf32, #tpu.memory_space<hbm>> -> memref<1x256xf32, #tpu.memory_space<hbm>>
    %dma_wait3A_724 = tpu.memref_squeeze %dma_wait3A_723 : memref<1x256xf32, #tpu.memory_space<hbm>> -> memref<256xf32, #tpu.memory_space<hbm>>
    tpu.wait_dma2 semaphore(%arg15 : memref<!tpu.dma_semaphore, #tpu.memory_space<semaphore_mem>>) src(%arg13 : memref<256xf32, #tpu.memory_space<vmem>>) dst(%dma_wait3A_724 : memref<256xf32, #tpu.memory_space<hbm>>)
    return
  }
}

module attributes {stable_mosaic.version = 14 : i64} {
  func.func @_tc_body(%arg0: memref<56x512xf32, #tpu.memory_space<vmem>>, %arg1: memref<512x128xf32, #tpu.memory_space<vmem>>, %arg2: memref<128x1xf32, #tpu.memory_space<vmem>>, %arg3: memref<512x4xf32, #tpu.memory_space<vmem>>, %arg4: memref<4x1xf32, #tpu.memory_space<vmem>>, %arg5: memref<1xf32, #tpu.memory_space<smem>>, %arg6: memref<1xf32, #tpu.memory_space<smem>>, %arg7: memref<56x17xi32, #tpu.memory_space<vmem>>, %arg8: memref<56x512xf32, #tpu.memory_space<vmem>>, %arg9: memref<128xi32, #tpu.memory_space<vmem>>, %arg10: memref<128xf32, #tpu.memory_space<vmem>>, %arg11: memref<56x128xi32, #tpu.memory_space<vmem>>) attributes {dimension_semantics = [], scalar_prefetch = 0 : i64, scratch_operands = 0 : i64, tpu.core_type = #tpu.core_type<tc>} {
    %get3A = arith.constant 0 : index
    %get3A_0 = arith.constant 0 : index
    %get3A_1 = vector.load %arg1[%get3A, %get3A_0] : memref<512x128xf32, #tpu.memory_space<vmem>>, vector<512x128xf32>
    %get3A_2 = arith.constant 0 : index
    %get3A_3 = arith.constant 0 : index
    %get3A_4 = vector.load %arg2[%get3A_2, %get3A_3] : memref<128x1xf32, #tpu.memory_space<vmem>>, vector<128x1xf32>
    %dot_general3A = arith.constant dense<0.000000e+00> : vector<512x1xf32>
    %dot_general3A_5 = tpu.matmul %get3A_1, %get3A_4, %dot_general3A {dimension_numbers = #tpu.dot_dimension_numbers<[1], [0], [0], [1], [0, 0, 1, 1], [], []>, transpose_lhs_hint = false} : vector<512x128xf32>, vector<128x1xf32>, vector<512x1xf32> -> vector<512x1xf32>
    %get3A_6 = arith.constant 0 : index
    %get3A_7 = arith.constant 0 : index
    %get3A_8 = vector.load %arg3[%get3A_6, %get3A_7] : memref<512x4xf32, #tpu.memory_space<vmem>>, vector<512x4xf32>
    %get3A_9 = arith.constant 0 : index
    %get3A_10 = arith.constant 0 : index
    %get3A_11 = vector.load %arg4[%get3A_9, %get3A_10] : memref<4x1xf32, #tpu.memory_space<vmem>>, vector<4x1xf32>
    %dot_general3A_12 = arith.constant dense<0.000000e+00> : vector<512x1xf32>
    %dot_general3A_13 = tpu.matmul %get3A_8, %get3A_11, %dot_general3A_12 {dimension_numbers = #tpu.dot_dimension_numbers<[1], [0], [0], [1], [0, 0, 1, 1], [], []>, transpose_lhs_hint = false} : vector<512x4xf32>, vector<4x1xf32>, vector<512x1xf32> -> vector<512x1xf32>
    %get3A_14 = arith.constant 0 : index
    %get3A_15 = memref.load %arg5[%get3A_14] : memref<1xf32, #tpu.memory_space<smem>>
    %get3A_16 = arith.constant 0 : index
    %get3A_17 = memref.load %arg6[%get3A_16] : memref<1xf32, #tpu.memory_space<smem>>
    %add3A = arith.addf %get3A_15, %get3A_17 : f32
    %add3A_18 = arith.addf %dot_general3A_5, %dot_general3A_13 : vector<512x1xf32>
    %transpose3A = tpu.transpose %add3A_18, [1, 0] : vector<512x1xf32> -> vector<1x512xf32>
    %get3A_19 = arith.constant 0 : index
    %get3A_20 = arith.constant 0 : index
    %get3A_21 = vector.load %arg0[%get3A_19, %get3A_20] : memref<56x512xf32, #tpu.memory_space<vmem>>, vector<56x512xf32>
    %add3A_22 = vector.broadcast %transpose3A : vector<1x512xf32> to vector<56x512xf32>
    %add3A_23 = arith.addf %get3A_21, %add3A_22 : vector<56x512xf32>
    %add3A_24 = vector.broadcast %add3A : f32 to vector<56x512xf32>
    %add3A_25 = arith.addf %add3A_23, %add3A_24 : vector<56x512xf32>
    %broadcast_in_dim3A = arith.constant 0.000000e+00 : f32
    %broadcast_in_dim3A_26 = vector.broadcast %broadcast_in_dim3A : f32 to vector<56x1xf32>
    %slice3A = vector.extract_strided_slice %add3A_25 {offsets = [0, 0], sizes = [56, 511], strides = [1, 1]} : vector<56x512xf32> to vector<56x511xf32>
    %concatenate3A = tpu.concatenate %broadcast_in_dim3A_26, %slice3A in 1 : vector<56x1xf32>, vector<56x511xf32> -> vector<56x512xf32>
    %add3A_27 = arith.addf %add3A_25, %concatenate3A : vector<56x512xf32>
    %broadcast_in_dim3A_28 = arith.constant 0.000000e+00 : f32
    %broadcast_in_dim3A_29 = vector.broadcast %broadcast_in_dim3A_28 : f32 to vector<56x2xf32>
    %slice3A_30 = vector.extract_strided_slice %add3A_27 {offsets = [0, 0], sizes = [56, 510], strides = [1, 1]} : vector<56x512xf32> to vector<56x510xf32>
    %concatenate3A_31 = tpu.concatenate %broadcast_in_dim3A_29, %slice3A_30 in 1 : vector<56x2xf32>, vector<56x510xf32> -> vector<56x512xf32>
    %add3A_32 = arith.addf %add3A_27, %concatenate3A_31 : vector<56x512xf32>
    %broadcast_in_dim3A_33 = arith.constant 0.000000e+00 : f32
    %broadcast_in_dim3A_34 = vector.broadcast %broadcast_in_dim3A_33 : f32 to vector<56x4xf32>
    %slice3A_35 = vector.extract_strided_slice %add3A_32 {offsets = [0, 0], sizes = [56, 508], strides = [1, 1]} : vector<56x512xf32> to vector<56x508xf32>
    %concatenate3A_36 = tpu.concatenate %broadcast_in_dim3A_34, %slice3A_35 in 1 : vector<56x4xf32>, vector<56x508xf32> -> vector<56x512xf32>
    %add3A_37 = arith.addf %add3A_32, %concatenate3A_36 : vector<56x512xf32>
    %broadcast_in_dim3A_38 = arith.constant 0.000000e+00 : f32
    %broadcast_in_dim3A_39 = vector.broadcast %broadcast_in_dim3A_38 : f32 to vector<56x8xf32>
    %slice3A_40 = vector.extract_strided_slice %add3A_37 {offsets = [0, 0], sizes = [56, 504], strides = [1, 1]} : vector<56x512xf32> to vector<56x504xf32>
    %concatenate3A_41 = tpu.concatenate %broadcast_in_dim3A_39, %slice3A_40 in 1 : vector<56x8xf32>, vector<56x504xf32> -> vector<56x512xf32>
    %add3A_42 = arith.addf %add3A_37, %concatenate3A_41 : vector<56x512xf32>
    %broadcast_in_dim3A_43 = arith.constant 0.000000e+00 : f32
    %broadcast_in_dim3A_44 = vector.broadcast %broadcast_in_dim3A_43 : f32 to vector<56x16xf32>
    %slice3A_45 = vector.extract_strided_slice %add3A_42 {offsets = [0, 0], sizes = [56, 496], strides = [1, 1]} : vector<56x512xf32> to vector<56x496xf32>
    %concatenate3A_46 = tpu.concatenate %broadcast_in_dim3A_44, %slice3A_45 in 1 : vector<56x16xf32>, vector<56x496xf32> -> vector<56x512xf32>
    %add3A_47 = arith.addf %add3A_42, %concatenate3A_46 : vector<56x512xf32>
    %broadcast_in_dim3A_48 = arith.constant 0.000000e+00 : f32
    %broadcast_in_dim3A_49 = vector.broadcast %broadcast_in_dim3A_48 : f32 to vector<56x32xf32>
    %slice3A_50 = vector.extract_strided_slice %add3A_47 {offsets = [0, 0], sizes = [56, 480], strides = [1, 1]} : vector<56x512xf32> to vector<56x480xf32>
    %concatenate3A_51 = tpu.concatenate %broadcast_in_dim3A_49, %slice3A_50 in 1 : vector<56x32xf32>, vector<56x480xf32> -> vector<56x512xf32>
    %add3A_52 = arith.addf %add3A_47, %concatenate3A_51 : vector<56x512xf32>
    %broadcast_in_dim3A_53 = arith.constant 0.000000e+00 : f32
    %broadcast_in_dim3A_54 = vector.broadcast %broadcast_in_dim3A_53 : f32 to vector<56x64xf32>
    %slice3A_55 = vector.extract_strided_slice %add3A_52 {offsets = [0, 0], sizes = [56, 448], strides = [1, 1]} : vector<56x512xf32> to vector<56x448xf32>
    %concatenate3A_56 = tpu.concatenate %broadcast_in_dim3A_54, %slice3A_55 in 1 : vector<56x64xf32>, vector<56x448xf32> -> vector<56x512xf32>
    %add3A_57 = arith.addf %add3A_52, %concatenate3A_56 : vector<56x512xf32>
    %broadcast_in_dim3A_58 = arith.constant 0.000000e+00 : f32
    %broadcast_in_dim3A_59 = vector.broadcast %broadcast_in_dim3A_58 : f32 to vector<56x128xf32>
    %slice3A_60 = vector.extract_strided_slice %add3A_57 {offsets = [0, 0], sizes = [56, 384], strides = [1, 1]} : vector<56x512xf32> to vector<56x384xf32>
    %concatenate3A_61 = tpu.concatenate %broadcast_in_dim3A_59, %slice3A_60 in 1 : vector<56x128xf32>, vector<56x384xf32> -> vector<56x512xf32>
    %add3A_62 = arith.addf %add3A_57, %concatenate3A_61 : vector<56x512xf32>
    %broadcast_in_dim3A_63 = arith.constant 0.000000e+00 : f32
    %broadcast_in_dim3A_64 = vector.broadcast %broadcast_in_dim3A_63 : f32 to vector<56x256xf32>
    %slice3A_65 = vector.extract_strided_slice %add3A_62 {offsets = [0, 0], sizes = [56, 256], strides = [1, 1]} : vector<56x512xf32> to vector<56x256xf32>
    %concatenate3A_66 = tpu.concatenate %broadcast_in_dim3A_64, %slice3A_65 in 1 : vector<56x256xf32>, vector<56x256xf32> -> vector<56x512xf32>
    %add3A_67 = arith.addf %add3A_62, %concatenate3A_66 : vector<56x512xf32>
    %swap3A = arith.constant 0 : index
    %swap3A_68 = arith.constant 0 : index
    %swap3A_69 = vector.load %arg8[%swap3A, %swap3A_68] : memref<56x512xf32, #tpu.memory_space<vmem>>, vector<56x512xf32>
    tpu.vector_store %arg8[%swap3A, %swap3A_68], %add3A_67 {strides = array<i32>} : memref<56x512xf32, #tpu.memory_space<vmem>>, vector<56x512xf32>,
    %get3A_70 = arith.constant 0 : index
    %get3A_71 = arith.constant 0 : index
    %get3A_72 = vector.load %arg7[%get3A_70, %get3A_71] : memref<56x17xi32, #tpu.memory_space<vmem>>, vector<56x17xi32>
    %slice3A_73 = vector.extract_strided_slice %get3A_72 {offsets = [0, 1], sizes = [56, 16], strides = [1, 1]} : vector<56x17xi32> to vector<56x16xi32>
    %slice3A_74 = vector.extract_strided_slice %get3A_72 {offsets = [0, 0], sizes = [56, 16], strides = [1, 1]} : vector<56x17xi32> to vector<56x16xi32>
    %sub3A = arith.subi %slice3A_73, %slice3A_74 : vector<56x16xi32>
    %reduce_max3A = vector.shape_cast %sub3A : vector<56x16xi32> to vector<1x56x16xi32>
    %reduce_max3A_75 = arith.constant dense<-2147483648> : vector<1xi32>
    %reduce_max3A_76 = vector.multi_reduction <maxsi>, %reduce_max3A, %reduce_max3A_75 [1, 2] : vector<1x56x16xi32> to vector<1xi32>
    %reduce_max3A_77 = vector.shape_cast %reduce_max3A_76 : vector<1xi32> to vector<1x1x1xi32>
    %reduce_max3A_78 = vector.extract %reduce_max3A_77[0, 0, 0] : i32 from vector<1x1x1xi32>
    %iota3A = tpu.iota {dimensions = array<i32: 1>} : vector<1x16xi32>
    %mul3A = vector.broadcast %reduce_max3A_78 : i32 to vector<1x16xi32>
    %mul3A_79 = arith.muli %iota3A, %mul3A : vector<1x16xi32>
    %shift_right_arithmetic3A = arith.constant 4 : i32
    %shift_right_arithmetic3A_80 = vector.broadcast %shift_right_arithmetic3A : i32 to vector<1x16xi32>
    %shift_right_arithmetic3A_81 = arith.shrsi %mul3A_79, %shift_right_arithmetic3A_80 : vector<1x16xi32>
    %add3A_82 = arith.constant 1 : i32
    %add3A_83 = vector.broadcast %add3A_82 : i32 to vector<1x16xi32>
    %add3A_84 = arith.addi %iota3A, %add3A_83 : vector<1x16xi32>
    %mul3A_85 = vector.broadcast %reduce_max3A_78 : i32 to vector<1x16xi32>
    %mul3A_86 = arith.muli %add3A_84, %mul3A_85 : vector<1x16xi32>
    %add3A_87 = arith.constant 15 : i32
    %add3A_88 = vector.broadcast %add3A_87 : i32 to vector<1x16xi32>
    %add3A_89 = arith.addi %mul3A_86, %add3A_88 : vector<1x16xi32>
    %shift_right_arithmetic3A_90 = arith.constant 4 : i32
    %shift_right_arithmetic3A_91 = vector.broadcast %shift_right_arithmetic3A_90 : i32 to vector<1x16xi32>
    %shift_right_arithmetic3A_92 = arith.shrsi %add3A_89, %shift_right_arithmetic3A_91 : vector<1x16xi32>
    %broadcast_in_dim3A_93 = arith.constant 0 : i32
    %broadcast_in_dim3A_94 = vector.broadcast %broadcast_in_dim3A_93 : i32 to vector<1x96xi32>
    %concatenate3A_95 = tpu.concatenate %shift_right_arithmetic3A_81, %shift_right_arithmetic3A_92, %broadcast_in_dim3A_94 in 1 : vector<1x16xi32>, vector<1x16xi32>, vector<1x96xi32> -> vector<1x128xi32>
    %reshape3A = vector.shape_cast %concatenate3A_95 : vector<1x128xi32> to vector<128xi32>
    %swap3A_96 = arith.constant 0 : index
    %swap3A_97 = vector.load %arg9[%swap3A_96] : memref<128xi32, #tpu.memory_space<vmem>>, vector<128xi32>
    tpu.vector_store %arg9[%swap3A_96], %reshape3A {strides = array<i32>} : memref<128xi32, #tpu.memory_space<vmem>>, vector<128xi32>,
    %sub3A_98 = arith.subi %shift_right_arithmetic3A_92, %shift_right_arithmetic3A_81 : vector<1x16xi32>
    %convert_element_type3A = arith.sitofp %sub3A_98 : vector<1x16xi32> to vector<1x16xf32>
    %div3A = arith.constant 1.000000e+00 : f32
    %div3A_99 = vector.broadcast %div3A : f32 to vector<1x16xf32>
    %div3A_100 = arith.divf %div3A_99, %convert_element_type3A : vector<1x16xf32>
    %broadcast_in_dim3A_101 = arith.constant 0.000000e+00 : f32
    %broadcast_in_dim3A_102 = vector.broadcast %broadcast_in_dim3A_101 : f32 to vector<1x112xf32>
    %concatenate3A_103 = tpu.concatenate %div3A_100, %broadcast_in_dim3A_102 in 1 : vector<1x16xf32>, vector<1x112xf32> -> vector<1x128xf32>
    %reshape3A_104 = vector.shape_cast %concatenate3A_103 : vector<1x128xf32> to vector<128xf32>
    %swap3A_105 = arith.constant 0 : index
    %swap3A_106 = vector.load %arg10[%swap3A_105] : memref<128xf32, #tpu.memory_space<vmem>>, vector<128xf32>
    tpu.vector_store %arg10[%swap3A_105], %reshape3A_104 {strides = array<i32>} : memref<128xf32, #tpu.memory_space<vmem>>, vector<128xf32>,
    %broadcast_in_dim3A_107 = arith.constant 0 : i32
    %broadcast_in_dim3A_108 = vector.broadcast %broadcast_in_dim3A_107 : i32 to vector<56x111xi32>
    %concatenate3A_109 = tpu.concatenate %get3A_72, %broadcast_in_dim3A_108 in 1 : vector<56x17xi32>, vector<56x111xi32> -> vector<56x128xi32>
    %swap3A_110 = arith.constant 0 : index
    %swap3A_111 = arith.constant 0 : index
    %swap3A_112 = vector.load %arg11[%swap3A_110, %swap3A_111] : memref<56x128xi32, #tpu.memory_space<vmem>>, vector<56x128xi32>
    tpu.vector_store %arg11[%swap3A_110, %swap3A_111], %concatenate3A_109 {strides = array<i32>} : memref<56x128xi32, #tpu.memory_space<vmem>>, vector<56x128xi32>,
    return
  }
}

</mosaic_0001>

<sc_bundles>
// kernel: kernel.4.cloned.1.call-start
scs
__scs_entry_jumppad:
0x0: {  	(pc) =	sbr.rel $0x88, $3  }
0x1: {  	(tag) =	ssettag $0x0;
	lr =	simm.s32 $0x1  }
0x2: {  	[smem:$0x3F9A] =	sst lr;
	_ =	strace $0xD0000000  }
0x3: {  	_ = 	snop  }
0x4: {  	_ = 	snop  }
0x5: {  	_ = 	snop  }
0x6: {  	_ = 	snop  }
0x7: {  	_ = 	snop  }
__scs_overlays_trampoline_lowered:
0x8: {  	[smem:$0x3FA9] =	sst s0  }
0x9: {  	[smem:$0x3FAA] =	sst s1  }
0xa: {  	[smem:$0x3FAB] =	sst s2  }
0xb: {  	[smem:$0x3FAC] =	sst s3  }
0xc: {  	[smem:$0x3FAD] =	sst s4  }
0xd: {  	[smem:$0x3FAE] =	sst s5  }
0xe: {  	[smem:$0x3FAF] =	sst s6  }
0xf: {  	[smem:$0x3FB0] =	sst s7  }
0x10: {  	[smem:$0x3FB1] =	sst s8  }
0x11: {  	[smem:$0x3FB2] =	sst s9;
	s0 =	simm.s32 @!p0 $0x0  }
0x12: {  	s1 =	sld [smem:$0x3F98];
	s0 =	simm.s32 @p0 $0x1  }
0x13: {  	[smem:$0x3FB3] =	sst s0;
	s0 =	simm.s32 @!p1 $0x0  }
0x14: {  	s2 =	sld [smem:$0x3F97];
	s0 =	simm.s32 @p1 $0x1  }
0x15: {  	[smem:$0x3FB4] =	sst s0;
	s0 =	simm.s32 @!p2 $0x0  }
0x16: {  	s3 =	sld [smem:$0x3FDB];
	s0 =	simm.s32 @p2 $0x1  }
0x17: {  	s4 =	simm.s32 $0x1BF5;
	[smem:$0x3FB6] =	sst s0  }
0x18: {  	s0 =	sld [smem:$0x3F99];
	_ =	swait.ge [sflag:s4], $0x0  }
0x19: {  	s7 =	sld [smem:$0x3F9A]  }
0x1a: {  	s8 =	sadd.s32 $0xFFFFE003, lr  }
0x1b: {  	s9 =	sadd.s32 $0xFFFFFEF7, lr;
	s5 =	simm.s32 $0xFFFFFFFF;
	p2 =	slt.u32 s8, $0xFFFFF086  }
0x1c: {  	p1 =	slt.u32 s9, $0xF7A;
	s5 =	simm.s32 @!p2 $0x0  }
0x1d: {  	s5 =	simm.s32 @p1 $0x1;
	p0 =	seq.s32 s7, s2  }
0x1e: {  	s7 =	smul.u32 @!p0 $0xF7A, s2;
	p2 =	seq.s32 @!p0 s5, $0x0  }
0x1f: {  	s9 =	smul.u32 $0xF7A, s1;
	s8 =	simm.s32 @!p0 $0x1BF5;
	p2 =	por !p2, p0  }
0x20: {  	[sflag:s8] =	ssyncset.s32 @!p0 $0xFFFFF086;
	s6 =	sadd.s32 @!p0 s3, s7;
	s7 =	simm.s32 @!p0 $0x108  }
0x21: {  	s3 =	sadd.s32 s3, s9;
	s6 =	sadd.s32 @!p0 $0x88, s6;
	s7 =	simm.s32 @p2 $0x1082  }
0x22: {  	[simem:s7], [sflag:s8] =	dma.local @!p0 [hbm:s6], $0xF7A  }
0x23: {  	s9 =	sor.u32 $0xD0000000, s2;
	s6 =	simm.s32 $0x108;
	_ =	swait.ge @!p0 [sflag:s8], $0x0  }
0x24: {  	s3 =	sadd.s32 $0x88, s3;
	s6 =	simm.s32 @!p1 $0x1082;
	[sflag:s4] =	ssyncset.s32 $0xFFFFF086  }
0x25: {  	[simem:s6], [sflag:s4] =	dma.local [hbm:s3], $0xF7A  }
0x26: {  	[smem:$0x3F9A] =	sst s1;
	(tag) =	ssettag s2;
	_ =	strace s9  }
0x27: {  	s1 =	sld [smem:$0x3FAA]  }
0x28: {  	s2 =	sld [smem:$0x3FAB]  }
0x29: {  	s4 =	sld [smem:$0x3FAD]  }
0x2a: {  	p0 =	seq.s32 s5, $0x0;
	s5 =	sld [smem:$0x3FAE]  }
0x2b: {  	s6 =	sld [smem:$0x3FAF]  }
0x2c: {  	s7 =	sld [smem:$0x3FB0]  }
0x2d: {  	s3 =	simm.s32 $0x108;
	s8 =	sld [smem:$0x3FB1]  }
0x2e: {  	s3 =	simm.s32 @!p0 $0x1082;
	s9 =	sld [smem:$0x3FB2]  }
0x2f: {  	lr =	sadd.s32 s0, s3;
	s0 =	sld [smem:$0x3FA9]  }
0x30: {  	s3 =	sld [smem:$0x3FAC]  }
0x31: {  	[smem:$0x3FB5] =	sst s10  }
0x32: {  	s10 =	sld [smem:$0x3FB3];
	_ =	sdelay $0x3  }
0x33: {  	p0 =	seq.s32 s10, $0x1;
	s10 =	sld [smem:$0x3FB5];
	_ =	sdelay $0x3  }
0x34: {  	[smem:$0x3FB5] =	sst s10  }
0x35: {  	s10 =	sld [smem:$0x3FB4];
	_ =	sdelay $0x3  }
0x36: {  	p1 =	seq.s32 s10, $0x1;
	s10 =	sld [smem:$0x3FB5];
	_ =	sdelay $0x3  }
0x37: {  	[smem:$0x3FB5] =	sst s10  }
0x38: {  	s10 =	sld [smem:$0x3FB6]  }
0x39: {  	_ = 	snop;
	(pc) =	sbr.ind lr, $3  }
0x3a: {  	_ = 	snop  }
0x3b: {  	_ = 	snop  }
0x3c: {  	p2 =	seq.s32 s10, $0x1;
	s10 =	sld [smem:$0x3FB5]  }
0x3d: {  	_ =	shalt  }
0x3e: {  	_ =	shalt  }
0x3f: {  	_ =	shalt  }
0x40: {  	_ =	shalt  }
0x41: {  	_ =	shalt  }
0x42: {  	_ =	shalt  }
0x43: {  	_ =	shalt  }
0x44: {  	_ =	shalt  }
0x45: {  	_ =	shalt  }
0x46: {  	_ =	shalt  }
0x47: {  	_ =	shalt  }
0x48: {  	_ =	shalt  }
0x49: {  	_ =	shalt  }
0x4a: {  	_ =	shalt  }
0x4b: {  	_ =	shalt  }
0x4c: {  	_ =	shalt  }
0x4d: {  	_ =	shalt  }
0x4e: {  	_ =	shalt  }
0x4f: {  	_ =	shalt  }
0x50: {  	_ =	shalt  }
0x51: {  	_ =	shalt  }
0x52: {  	_ =	shalt  }
0x53: {  	_ =	shalt  }
0x54: {  	_ =	shalt  }
0x55: {  	_ =	shalt  }
0x56: {  	_ =	shalt  }
0x57: {  	_ =	shalt  }
0x58: {  	_ =	shalt  }
0x59: {  	_ =	shalt  }
0x5a: {  	_ =	shalt  }
0x5b: {  	_ =	shalt  }
0x5c: {  	_ =	shalt  }
0x5d: {  	_ =	shalt  }
0x5e: {  	_ =	shalt  }
0x5f: {  	_ =	shalt  }
0x60: {  	_ =	shalt  }
0x61: {  	_ =	shalt  }
0x62: {  	_ =	shalt  }
0x63: {  	_ =	shalt  }
0x64: {  	_ =	shalt  }
0x65: {  	_ =	shalt  }
0x66: {  	_ =	shalt  }
0x67: {  	_ =	shalt  }
0x68: {  	_ =	shalt  }
0x69: {  	_ =	shalt  }
0x6a: {  	_ =	shalt  }
0x6b: {  	_ =	shalt  }
0x6c: {  	_ =	shalt  }
0x6d: {  	_ =	shalt  }
0x6e: {  	_ =	shalt  }
0x6f: {  	_ =	shalt  }
0x70: {  	_ =	shalt  }
0x71: {  	_ =	shalt  }
0x72: {  	_ =	shalt  }
0x73: {  	_ =	shalt  }
0x74: {  	_ =	shalt  }
0x75: {  	_ =	shalt  }
0x76: {  	_ =	shalt  }
0x77: {  	_ =	shalt  }
0x78: {  	_ =	shalt  }
0x79: {  	_ =	shalt  }
0x7a: {  	_ =	shalt  }
0x7b: {  	_ =	shalt  }
0x7c: {  	_ =	shalt  }
0x7d: {  	_ =	shalt  }
0x7e: {  	_ =	shalt  }
0x7f: {  	_ =	shalt  }
0x80: {  	_ =	shalt  }
0x81: {  	_ =	shalt  }
0x82: {  	_ =	shalt  }
0x83: {  	_ =	shalt  }
0x84: {  	_ =	shalt  }
0x85: {  	_ =	shalt  }
0x86: {  	_ =	shalt  }
0x87: {  	_ =	shalt  }
.Lfunc_end0:
.L_simem_size_0:
called_computation_lowered:
.L_overlay_start_0:
0x88: {  	s2 =	sld [smem:$0x3FD9]  }
0x89: {  	s3 =	sld [smem:$0x3FFE];
	_ =	sdelay $0x1  }
0x8a: {  	s1 =	srdreg.scid  }
0x8b: {  	s0 =	sand.u32 $0x1, s1  }
0x8c: {  	s17 =	sshll.u32 s0, $0xA;
	s2 =	sadd.s32 s3, s2  }
0x8d: {  	s2 =	sadd.s32 s2, s17  }
0x8e: {  	[smem:$0x3FC1] =	sst s2  }
0x8f: {  	_ = 	snop  }
0x90: {  	s2 =	sld [smem:$0x3FD0];
	(tm) =	ssettm $0x1  }
0x91: {  	s18 =	sld [smem:$0x3FFB];
	_ =	sdelay $0x3  }
0x92: {  	_ =	strace s18  }
0x93: {  	s3 =	sld [smem:$0x3FFC];
	_ =	sdelay $0x3  }
0x94: {  	_ =	strace s3  }
0x95: {  	s3 =	sld [smem:$0x3FFD];
	_ =	sdelay $0x3  }
0x96: {  	_ =	strace s3  }
0x97: {  	_ =	strace $0x8FFFFFFF  }
0x98: {  	s19 =	sld [smem:$0x3FDB];
	_ =	sdelay $0x1  }
0x99: {  	s4 =	simm.s32 $_scs_section_size  }
0x9a: {  	s5 =	simm.s32 $_size__tile_overlayer_lowered;
	s6 =	simm.s32 $_tile_overlayer_lowered  }
0x9b: {  	s22 =	simm.s32 $0x1BFF;
	s21 =	sshll.u32 s6, $0x1;
	s3 =	sadd.s32 s4, s19  }
0x9c: {  	s7 =	simm.s32 $0x0;
	s20 =	sshll.u32 s5, $0x1;
	s5 =	sadd.s32 s21, s3  }
0x9d: {  	[timem:s7], [sflag:s22] =	dma.local [hbm:s5], s20  }
0x9e: {  	_ =	swait.ge [sflag:s22], s20  }
0x9f: {  	s4 =	ssub.s32 $0x0, s20;
	[sflag:s22] =	ssyncset.done $0x0  }
0xa0: {  	[sflag:s22] =	ssyncadd.s32 s4;
	_ =	sdelay $0x1  }
0xa1: {  	s23 =	simm.s32 $0x1B8B  }
0xa2: {  	_ =	swait.ge [sflag:s23], $0x1  }
0xa3: {  	[sflag:s23] =	ssyncset.done $0x0  }
0xa4: {  	s25 =	simm.s32 $0x1B8E;
	s24 =	sld [smem:$0x3FFE];
	[sflag:s23] =	ssyncadd.s32 $0xFFFFFFFF  }
0xa5: {  	s26 =	simm.s32 $execute0_lowered;
	[smem:$0x3FD2] =	sst s25  }
0xa6: {  	s5 =	sshll.u32 s26, $0x1;
	_ =	strace $0x80000046;
	[dreg:$0x1] =	wrdreg $0xFFFFFFFF  }
0xa7: {  	s28 =	simm.s32 $_size_execute0_lowered;
	s3 =	sadd.s32 s3, s5;
	[dreg:$0x0] =	wrdreg $0x0  }
0xa8: {  	s5 =	sshll.u32 s28, $0x1;
	[dreg:$0x2] =	wrdreg s3  }
0xa9: {  	[dreg:$0x3] =	wrdreg s5  }
0xaa: {  	[dreg:$0x4] =	wrdreg $0xC0  }
0xab: {  	_ =	task [dreg:s7], $0x5FFFF  }
0xac: {  	[dreg:$0x1] =	wrdreg $0xFFFFFFFF  }
0xad: {  	[dreg:$0x0] =	wrdreg $0x60  }
0xae: {  	[dreg:$0x2] =	wrdreg s2  }
0xaf: {  	[dreg:$0x3] =	wrdreg s24  }
0xb0: {  	[dreg:$0x4] =	wrdreg $0x9  }
0xb1: {  	_ =	task.clear_ibuf [dreg:s7], $0x5FFFF;
	_ =	strace $0x90000046  }
0xb2: {  	s29 =	simm.s32 $0x9;
	_ =	strace $0x80000048  }
0xb3: {  	_ =	swait.ge [sflag:s29], $0x1  }
0xb4: {  	[sflag:s29] =	ssyncadd.s32 $0xFFFFFFFF  }
0xb5: {  	_ =	strace $0x90000048  }
0xb6: {  	_ =	sfence  }
0xb7: {  	s30 =	sld [smem:$0x0];
	_ =	sdelay $0x2  }
0xb8: {  	s31 =	sshll.u32 s1, $0xD;
	s1 =	sshrl.u32 s1, $0x2  }
0xb9: {  	s3 =	sand.u32 $0x4000, s31;
	s1 =	sadd.s32 s1, s30  }
0xba: {  	s0 =	sor.u32 s3, s0;
	s1 =	sshll.u32 s1, $0x11  }
0xbb: {  	s0 =	sor.u32 s1, s0  }
0xbc: {  	s0 =	sadd.s32 $0x8F2B, s0  }
0xbd: {  	[sflag:s0] =	ssyncadd.remote.s32 $0x1  }
0xbe: {  	_ =	sfence.sel $0xFFFF  }
0xbf: {  	[dreg:$0x0] =	wrdreg $0xFFFFFFFF;
	(pc) =	sbr.abs _section_cstart, $3  }
0xc0: {  	[dreg:$0x1] =	wrdreg $0xFFFFFFFF  }
0xc1: {  	_ =	task.clear_ibuf [dreg:s7], $0x2FFFF;
	_ =	strace $0x9FFFFFFF  }
0xc2: {  	(tm) =	ssettm $0x7FFFFFFF  }
0xc3: {  	_ =	shalt  }
tec
execute0_lowered:
.L_overlay_start_1:
0x0: {  	(tag) =	ssettag $0x1  }
0x1: {  	s8 =	rddreg [dreg:$0x0]  }
0x2: {  	s5 =	rddreg [dreg:$0x1]  }
0x3: {  	s0 =	rddreg [dreg:$0x2]  }
0x4: {  	s1 =	simm.s32 $0x0;
	s2 =	srdreg.scid;
	s17 =	simm.s32 $0x1  }
0x5: {  	s18 =	simm.s32 $0x600;
	[smem:$0x7FF] =	sst s1;
	s6 =	sadd.s32 $0x1400, s5  }
0x6: {  	s7 =	sand.u32 $0x1, s2;
	s3 =	sadd.s32 $0x1800, s5;
	s4 =	sadd.s32 $0x1A00, s5  }
0x7: {  	s2 =	stileid.u32;
	s11 =	sadd.s32 $0x1C00, s5;
	_ =	strace $0x80000047  }
0x8: {  	s9 =	ssub.s32 $0x2, s7;
	s7 =	sshll.u32 s7, $0x4;
	s23 =	sshll.u32 s2, $0x7  }
0x9: {  	s10 =	sshrl.u32 s9, $0x1;
	s13 =	sor.u32 s2, s7;
	s25 =	sand.u32 $0x380, s23  }
0xa: {  	p0 =	slt.u32 s13, $0x18;
	s7 =	sor.u32 $0x20, s13;
	s24 =	sshrl.u32 s13, $0x3  }
0xb: {  	s12 =	ssub.s32 s9, s10;
	s7 =	simm.s32 @!p0 $0x0;
	s26 =	sshll.u32 s24, $0xA  }
0xc: {  	s16 =	sshll.u32 s24, $0xC;
	s9 =	sshll.u32 s24, $0xB;
	p0 =	sgt.u32 s13, $0x17  }
0xd: {  	s13 =	simm.s32 $0x100;
	s14 =	sshrl.u32 s7, $0x3;
	s7 =	sshll.u32 s7, $0x7  }
0xe: {  	s5 =	sor.u32 s25, s26;
	s16 =	sor.u32 s25, s16;
	s9 =	sor.u32 s25, s9  }
0xf: {  	s15 =	sand.u32 $0x380, s7;
	s28 =	sshll.u32 s14, $0xA;
	s5 =	sshrl.u32 s5, $0x3  }
0x10: {  	s16 =	sshrl.u32 s16, $0x3;
	s29 =	sshll.u32 s14, $0xC;
	s14 =	sshll.u32 s14, $0xB  }
0x11: {  	v0 =	vimm.s32 $0x1;
	s9 =	sshrl.u32 s9, $0x3;
	s7 =	sor.u32 s15, s28;
	s5 =	sadd.s32 s6, s5  }
0x12: {  	v1 =	vimm.s32 $0x2;
	v2 =	vimm.s32 $0x3;
	v3 =	vimm.s32 $0x4;
	s30 =	sor.u32 s15, s14;
	s9 =	sadd.s32 s11, s9;
	s7 =	sshrl.u32 s7, $0x3  }
0x13: {  	v4 =	vimm.s32 $0x5;
	v5 =	vimm.s32 $0x6;
	v6 =	vimm.s32 $0x7;
	s14 =	simm.s32 $0x180;
	s10 =	sshrl.u32 s30, $0x3;
	s6 =	sadd.s32 s6, s7  }
0x14: {  	v7 =	vimm.s32 $0x8;
	v8 =	vimm.s32 $0x9;
	v9 =	vimm.s32 $0xA;
	s7 =	sadd.s32 s8, s16;
	s16 =	sor.u32 s15, s29;
	s10 =	sadd.s32 s11, s10  }
0x15: {  	v10 =	vimm.s32 $0xB;
	v11 =	vimm.s32 $0xC;
	v12 =	vimm.s32 $0xD;
	s11 =	smax.u32 s12, $0x1;
	s12 =	simm.s32 $0x80;
	s31 =	sshrl.u32 s16, $0x3  }
0x16: {  	v13 =	vimm.s32 $0xE;
	v14 =	vimm.s32 $0xF;
	v15 =	vimm.s32 $0x10;
	s15 =	simm.s32 $0x400;
	s16 =	simm.s32 $0x200;
	s8 =	sadd.s32 s8, s31  }
.LBB2_1:
0x17: {  	[tilespmem:s1], [sflag:$0x1] =	stream.linear.gather [hbm4b:s5+s1], $0x80, $0x38;
	[tilespmem:$0x800] =	vst v63  }
0x18: {  	_ = 	snop  }
0x19: {  	[tilespmem:s12], [sflag:$0x1] =	stream.linear.gather [hbm4b:s6+s1], $0x80, $0x38;
	[tilespmem:$0x800] =	vst v63  }
0x1a: {  	_ = 	snop  }
0x1b: {  	[tilespmem:s13], [sflag:$0x1] =	stream.linear.gather [hbm4b:s3+s1], $0x80, $0x38;
	[tilespmem:$0x800] =	vst v63  }
0x1c: {  	_ = 	snop  }
0x1d: {  	[tilespmem:s14], [sflag:$0x1] =	stream.linear.gather [hbm4b:s4+s1], $0x80, $0x38;
	[tilespmem:$0x800] =	vst v63  }
0x1e: {  	_ = 	snop  }
0x1f: {  	[tilespmem:s16], [sflag:$0x1] =	stream.strided.gather [hbm4b:s7+s12], $0x200, s15, s12, $0x38;
	[tilespmem:$0x800] =	vst v63  }
0x20: {  	_ = 	snop  }
0x21: {  	[tilespmem:s15], [sflag:$0x1] =	stream.strided.gather [hbm4b:s8+s12], $0x200, s15, s12, $0x38;
	[tilespmem:$0x800] =	vst v63  }
0x22: {  	_ =	swait.ge [sflag:s17], $0x80  }
0x23: {  	[sflag:s17] =	ssyncset.done $0x0  }
0x24: {  	[sflag:s17] =	ssyncadd.s32 $0xFFFFFF80  }
0x25: {  	_ =	swait.ge [sflag:s17], $0x80  }
0x26: {  	[sflag:s17] =	ssyncset.done $0x0  }
0x27: {  	[sflag:s17] =	ssyncadd.s32 $0xFFFFFF80  }
0x28: {  	_ =	swait.ge [sflag:s17], $0x80  }
0x29: {  	[sflag:s17] =	ssyncset.done $0x0  }
0x2a: {  	[sflag:s17] =	ssyncadd.s32 $0xFFFFFF80  }
0x2b: {  	_ =	swait.ge [sflag:s17], $0x80  }
0x2c: {  	[sflag:s17] =	ssyncset.done $0x0  }
0x2d: {  	[sflag:s17] =	ssyncadd.s32 $0xFFFFFF80  }
0x2e: {  	_ =	swait.ge [sflag:s17], $0x200  }
0x2f: {  	[sflag:s17] =	ssyncset.done $0x0  }
0x30: {  	[sflag:s17] =	ssyncadd.s32 $0xFFFFFE00  }
0x31: {  	_ =	swait.ge [sflag:s17], $0x200  }
0x32: {  	[sflag:s17] =	ssyncset.done $0x0  }
0x33: {  	[sflag:s17] =	ssyncadd.s32 $0xFFFFFE00  }
0x34: {  	v18 =	vld.msk [tilespmem:s1+$0x0], $0xffff  }
0x35: {  	v19 =	vld.idx.msk [tilespmem:v0+s1+$0x0], $0xffff  }
0x36: {  	v16 =	vld [tilespmem:$0x100];
	_ =	sdelay $0x2  }
0x37: {  	v17 =	vld [tilespmem:$0x110]  }
0x38: {  	v20 =	vsub.s32 v19, v18  }
0x39: {  	vm0 =	vlt.s32 v16, v20  }
0x3a: {  	v21 =	vsel vm0, v16, v20  }
0x3b: {  	v21 =	vadd.s32 v18, v21  }
0x3c: {  	vm9 =	vlt.s32 v17, v20;
	v22 =	vadd.s32 $0xFFFFFFFF, v21  }
0x3d: {  	v20 =	vsel vm9, v17, v20;
	vm10 =	vgt.s32 v22, $0x0  }
0x3e: {  	v18 =	vadd.s32 v20, v18;
	v52 =	vnsel vm10, $0x0, v22  }
0x3f: {  	v18 =	vadd.s32 $0xFFFFFFFF, v18;
	_ =	sdelay $0x3  }
0x40: {  	v20 =	vld.idx.msk [tilespmem:v52+s16+$0x0], $0xffff  }
0x41: {  	v53 =	vld.idx.msk [tilespmem:v18+s16+$0x0], $0xffff;
	_ =	sdelay $0x1  }
0x42: {  	v18 =	vld [tilespmem:$0x180]  }
0x43: {  	vm11 =	vgt.s32 v21, $0x0  }
0x44: {  	v20 =	vnsel vm11, $0x0, v20  }
0x45: {  	v20 =	vsub.f32 v53, v20;
	_ =	sdelay $0x1  }
0x46: {  	v20 =	vmul.f32 v20, v18;
	_ =	sdelay $0x1  }
0x47: {  	[tilespmem:$0x600] =	vst v20  }
0x48: {  	v20 =	vld.idx.msk [tilespmem:v1+s1+$0x0], $0xffff;
	_ =	sdelay $0x4  }
0x49: {  	v54 =	vsub.s32 v20, v19  }
0x4a: {  	vm12 =	vlt.s32 v17, v54  }
0x4b: {  	v19 =	vadd.s32 $0xFFFFFFFF, v19;
	vm13 =	vlt.s32 v16, v54;
	v55 =	vsel vm12, v17, v54  }
0x4c: {  	v21 =	vsel vm13, v16, v54;
	v22 =	vadd.s32 v55, v19  }
0x4d: {  	v19 =	vadd.s32 v21, v19;
	_ =	sdelay $0x3  }
0x4e: {  	v56 =	vld.idx.msk [tilespmem:v22+s16+$0x0], $0xffff  }
0x4f: {  	v19 =	vld.idx.msk [tilespmem:v19+s16+$0x0], $0xffff;
	_ =	sdelay $0x4  }
0x50: {  	v19 =	vsub.f32 v56, v19;
	_ =	sdelay $0x1  }
0x51: {  	v19 =	vmul.f32 v19, v18;
	_ =	sdelay $0x1  }
0x52: {  	[tilespmem:$0x610] =	vst v19  }
0x53: {  	v19 =	vld.idx.msk [tilespmem:v2+s1+$0x0], $0xffff;
	_ =	sdelay $0x4  }
0x54: {  	v57 =	vsub.s32 v19, v20  }
0x55: {  	vm14 =	vlt.s32 v17, v57  }
0x56: {  	v20 =	vadd.s32 $0xFFFFFFFF, v20;
	vm15 =	vlt.s32 v16, v57;
	v58 =	vsel vm14, v17, v57  }
0x57: {  	v21 =	vsel vm15, v16, v57;
	v22 =	vadd.s32 v58, v20  }
0x58: {  	v20 =	vadd.s32 v21, v20;
	_ =	sdelay $0x3  }
0x59: {  	v59 =	vld.idx.msk [tilespmem:v22+s16+$0x0], $0xffff  }
0x5a: {  	v20 =	vld.idx.msk [tilespmem:v20+s16+$0x0], $0xffff;
	_ =	sdelay $0x4  }
0x5b: {  	v20 =	vsub.f32 v59, v20;
	_ =	sdelay $0x1  }
0x5c: {  	v20 =	vmul.f32 v20, v18;
	_ =	sdelay $0x1  }
0x5d: {  	[tilespmem:$0x620] =	vst v20  }
0x5e: {  	v20 =	vld.idx.msk [tilespmem:v3+s1+$0x0], $0xffff;
	_ =	sdelay $0x4  }
0x5f: {  	v60 =	vsub.s32 v20, v19  }
0x60: {  	vm4 =	vlt.s32 v17, v60  }
0x61: {  	v19 =	vadd.s32 $0xFFFFFFFF, v19;
	vm5 =	vlt.s32 v16, v60;
	v61 =	vsel vm4, v17, v60  }
0x62: {  	v21 =	vsel vm5, v16, v60;
	v22 =	vadd.s32 v61, v19  }
0x63: {  	v19 =	vadd.s32 v21, v19;
	_ =	sdelay $0x3  }
0x64: {  	v62 =	vld.idx.msk [tilespmem:v22+s16+$0x0], $0xffff  }
0x65: {  	v19 =	vld.idx.msk [tilespmem:v19+s16+$0x0], $0xffff;
	_ =	sdelay $0x4  }
0x66: {  	v19 =	vsub.f32 v62, v19;
	_ =	sdelay $0x1  }
0x67: {  	v19 =	vmul.f32 v19, v18;
	_ =	sdelay $0x1  }
0x68: {  	[tilespmem:$0x630] =	vst v19  }
0x69: {  	v19 =	vld.idx.msk [tilespmem:v4+s1+$0x0], $0xffff;
	_ =	sdelay $0x4  }
0x6a: {  	v63 =	vsub.s32 v19, v20  }
0x6b: {  	vm6 =	vlt.s32 v17, v63  }
0x6c: {  	v20 =	vadd.s32 $0xFFFFFFFF, v20;
	vm7 =	vlt.s32 v16, v63;
	v24 =	vsel vm6, v17, v63  }
0x6d: {  	v21 =	vsel vm7, v16, v63;
	v22 =	vadd.s32 v24, v20  }
0x6e: {  	v20 =	vadd.s32 v21, v20;
	_ =	sdelay $0x3  }
0x6f: {  	v25 =	vld.idx.msk [tilespmem:v22+s16+$0x0], $0xffff  }
0x70: {  	v20 =	vld.idx.msk [tilespmem:v20+s16+$0x0], $0xffff;
	_ =	sdelay $0x4  }
0x71: {  	v20 =	vsub.f32 v25, v20;
	_ =	sdelay $0x1  }
0x72: {  	v20 =	vmul.f32 v20, v18;
	_ =	sdelay $0x1  }
0x73: {  	[tilespmem:$0x640] =	vst v20  }
0x74: {  	v20 =	vld.idx.msk [tilespmem:v5+s1+$0x0], $0xffff;
	_ =	sdelay $0x4  }
0x75: {  	v26 =	vsub.s32 v20, v19  }
0x76: {  	vm8 =	vlt.s32 v17, v26  }
0x77: {  	v19 =	vadd.s32 $0xFFFFFFFF, v19;
	vm9 =	vlt.s32 v16, v26;
	v27 =	vsel vm8, v17, v26  }
0x78: {  	v21 =	vsel vm9, v16, v26;
	v22 =	vadd.s32 v27, v19  }
0x79: {  	v19 =	vadd.s32 v21, v19;
	_ =	sdelay $0x3  }
0x7a: {  	v28 =	vld.idx.msk [tilespmem:v22+s16+$0x0], $0xffff  }
0x7b: {  	v19 =	vld.idx.msk [tilespmem:v19+s16+$0x0], $0xffff;
	_ =	sdelay $0x4  }
0x7c: {  	v19 =	vsub.f32 v28, v19;
	_ =	sdelay $0x1  }
0x7d: {  	v19 =	vmul.f32 v19, v18;
	_ =	sdelay $0x1  }
0x7e: {  	[tilespmem:$0x650] =	vst v19  }
0x7f: {  	v19 =	vld.idx.msk [tilespmem:v6+s1+$0x0], $0xffff;
	_ =	sdelay $0x4  }
0x80: {  	v29 =	vsub.s32 v19, v20  }
0x81: {  	vm10 =	vlt.s32 v17, v29  }
0x82: {  	v20 =	vadd.s32 $0xFFFFFFFF, v20;
	vm11 =	vlt.s32 v16, v29;
	v30 =	vsel vm10, v17, v29  }
0x83: {  	v21 =	vsel vm11, v16, v29;
	v22 =	vadd.s32 v30, v20  }
0x84: {  	v20 =	vadd.s32 v21, v20;
	_ =	sdelay $0x3  }
0x85: {  	v31 =	vld.idx.msk [tilespmem:v22+s16+$0x0], $0xffff  }
0x86: {  	v20 =	vld.idx.msk [tilespmem:v20+s16+$0x0], $0xffff;
	_ =	sdelay $0x4  }
0x87: {  	v20 =	vsub.f32 v31, v20;
	_ =	sdelay $0x1  }
0x88: {  	v20 =	vmul.f32 v20, v18;
	_ =	sdelay $0x1  }
0x89: {  	[tilespmem:$0x660] =	vst v20  }
0x8a: {  	v20 =	vld.idx.msk [tilespmem:v7+s1+$0x0], $0xffff;
	_ =	sdelay $0x4  }
0x8b: {  	v32 =	vsub.s32 v20, v19  }
0x8c: {  	vm12 =	vlt.s32 v17, v32  }
0x8d: {  	v19 =	vadd.s32 $0xFFFFFFFF, v19;
	vm13 =	vlt.s32 v16, v32;
	v33 =	vsel vm12, v17, v32  }
0x8e: {  	v21 =	vsel vm13, v16, v32;
	v22 =	vadd.s32 v33, v19  }
0x8f: {  	v19 =	vadd.s32 v21, v19;
	_ =	sdelay $0x3  }
0x90: {  	v34 =	vld.idx.msk [tilespmem:v22+s16+$0x0], $0xffff  }
0x91: {  	v19 =	vld.idx.msk [tilespmem:v19+s16+$0x0], $0xffff;
	_ =	sdelay $0x4  }
0x92: {  	v19 =	vsub.f32 v34, v19;
	_ =	sdelay $0x1  }
0x93: {  	v19 =	vmul.f32 v19, v18;
	_ =	sdelay $0x1  }
0x94: {  	[tilespmem:$0x670] =	vst v19  }
0x95: {  	v19 =	vld.idx.msk [tilespmem:v8+s1+$0x0], $0xffff;
	_ =	sdelay $0x4  }
0x96: {  	v35 =	vsub.s32 v19, v20  }
0x97: {  	vm14 =	vlt.s32 v17, v35  }
0x98: {  	v20 =	vadd.s32 $0xFFFFFFFF, v20;
	vm15 =	vlt.s32 v16, v35;
	v36 =	vsel vm14, v17, v35  }
0x99: {  	v21 =	vsel vm15, v16, v35;
	v22 =	vadd.s32 v36, v20  }
0x9a: {  	v20 =	vadd.s32 v21, v20;
	_ =	sdelay $0x3  }
0x9b: {  	v37 =	vld.idx.msk [tilespmem:v22+s16+$0x0], $0xffff  }
0x9c: {  	v20 =	vld.idx.msk [tilespmem:v20+s16+$0x0], $0xffff;
	_ =	sdelay $0x4  }
0x9d: {  	v20 =	vsub.f32 v37, v20;
	_ =	sdelay $0x1  }
0x9e: {  	v20 =	vmul.f32 v20, v18;
	_ =	sdelay $0x1  }
0x9f: {  	[tilespmem:$0x680] =	vst v20  }
0xa0: {  	v20 =	vld.idx.msk [tilespmem:v9+s1+$0x0], $0xffff;
	_ =	sdelay $0x4  }
0xa1: {  	v38 =	vsub.s32 v20, v19  }
0xa2: {  	vm4 =	vlt.s32 v17, v38  }
0xa3: {  	v19 =	vadd.s32 $0xFFFFFFFF, v19;
	vm5 =	vlt.s32 v16, v38;
	v39 =	vsel vm4, v17, v38  }
0xa4: {  	v21 =	vsel vm5, v16, v38;
	v22 =	vadd.s32 v39, v19  }
0xa5: {  	v19 =	vadd.s32 v21, v19;
	_ =	sdelay $0x3  }
0xa6: {  	v40 =	vld.idx.msk [tilespmem:v22+s16+$0x0], $0xffff  }
0xa7: {  	v19 =	vld.idx.msk [tilespmem:v19+s16+$0x0], $0xffff;
	_ =	sdelay $0x4  }
0xa8: {  	v19 =	vsub.f32 v40, v19;
	_ =	sdelay $0x1  }
0xa9: {  	v19 =	vmul.f32 v19, v18;
	_ =	sdelay $0x1  }
0xaa: {  	[tilespmem:$0x690] =	vst v19  }
0xab: {  	v19 =	vld.idx.msk [tilespmem:v10+s1+$0x0], $0xffff;
	_ =	sdelay $0x4  }
0xac: {  	v41 =	vsub.s32 v19, v20  }
0xad: {  	vm6 =	vlt.s32 v17, v41  }
0xae: {  	v20 =	vadd.s32 $0xFFFFFFFF, v20;
	vm7 =	vlt.s32 v16, v41;
	v42 =	vsel vm6, v17, v41  }
0xaf: {  	v21 =	vsel vm7, v16, v41;
	v22 =	vadd.s32 v42, v20  }
0xb0: {  	v20 =	vadd.s32 v21, v20;
	_ =	sdelay $0x3  }
0xb1: {  	v43 =	vld.idx.msk [tilespmem:v22+s16+$0x0], $0xffff  }
0xb2: {  	v20 =	vld.idx.msk [tilespmem:v20+s16+$0x0], $0xffff;
	_ =	sdelay $0x4  }
0xb3: {  	v20 =	vsub.f32 v43, v20;
	_ =	sdelay $0x1  }
0xb4: {  	v20 =	vmul.f32 v20, v18;
	_ =	sdelay $0x1  }
0xb5: {  	[tilespmem:$0x6A0] =	vst v20  }
0xb6: {  	v20 =	vld.idx.msk [tilespmem:v11+s1+$0x0], $0xffff;
	_ =	sdelay $0x4  }
0xb7: {  	v44 =	vsub.s32 v20, v19  }
0xb8: {  	vm8 =	vlt.s32 v17, v44  }
0xb9: {  	v19 =	vadd.s32 $0xFFFFFFFF, v19;
	vm9 =	vlt.s32 v16, v44;
	v45 =	vsel vm8, v17, v44  }
0xba: {  	v21 =	vsel vm9, v16, v44;
	v22 =	vadd.s32 v45, v19  }
0xbb: {  	v19 =	vadd.s32 v21, v19;
	_ =	sdelay $0x3  }
0xbc: {  	v46 =	vld.idx.msk [tilespmem:v22+s16+$0x0], $0xffff  }
0xbd: {  	v19 =	vld.idx.msk [tilespmem:v19+s16+$0x0], $0xffff;
	_ =	sdelay $0x4  }
0xbe: {  	v19 =	vsub.f32 v46, v19;
	_ =	sdelay $0x1  }
0xbf: {  	v19 =	vmul.f32 v19, v18;
	_ =	sdelay $0x1  }
0xc0: {  	[tilespmem:$0x6B0] =	vst v19  }
0xc1: {  	v19 =	vld.idx.msk [tilespmem:v12+s1+$0x0], $0xffff;
	_ =	sdelay $0x4  }
0xc2: {  	v47 =	vsub.s32 v19, v20  }
0xc3: {  	vm10 =	vlt.s32 v17, v47  }
0xc4: {  	v20 =	vadd.s32 $0xFFFFFFFF, v20;
	vm11 =	vlt.s32 v16, v47;
	v48 =	vsel vm10, v17, v47  }
0xc5: {  	v21 =	vsel vm11, v16, v47;
	v22 =	vadd.s32 v48, v20  }
0xc6: {  	v20 =	vadd.s32 v21, v20;
	_ =	sdelay $0x3  }
0xc7: {  	v49 =	vld.idx.msk [tilespmem:v22+s16+$0x0], $0xffff  }
0xc8: {  	v20 =	vld.idx.msk [tilespmem:v20+s16+$0x0], $0xffff;
	_ =	sdelay $0x4  }
0xc9: {  	v20 =	vsub.f32 v49, v20;
	_ =	sdelay $0x1  }
0xca: {  	v20 =	vmul.f32 v20, v18;
	_ =	sdelay $0x1  }
0xcb: {  	[tilespmem:$0x6C0] =	vst v20  }
0xcc: {  	v20 =	vld.idx.msk [tilespmem:v13+s1+$0x0], $0xffff;
	_ =	sdelay $0x4  }
0xcd: {  	v50 =	vsub.s32 v20, v19  }
0xce: {  	vm12 =	vlt.s32 v17, v50  }
0xcf: {  	v19 =	vadd.s32 $0xFFFFFFFF, v19;
	vm13 =	vlt.s32 v16, v50;
	v51 =	vsel vm12, v17, v50  }
0xd0: {  	v21 =	vsel vm13, v16, v50;
	v22 =	vadd.s32 v51, v19  }
0xd1: {  	v19 =	vadd.s32 v21, v19;
	_ =	sdelay $0x3  }
0xd2: {  	v52 =	vld.idx.msk [tilespmem:v22+s16+$0x0], $0xffff  }
0xd3: {  	v19 =	vld.idx.msk [tilespmem:v19+s16+$0x0], $0xffff;
	_ =	sdelay $0x4  }
0xd4: {  	v19 =	vsub.f32 v52, v19;
	_ =	sdelay $0x1  }
0xd5: {  	v19 =	vmul.f32 v19, v18;
	_ =	sdelay $0x1  }
0xd6: {  	[tilespmem:$0x6D0] =	vst v19  }
0xd7: {  	v19 =	vld.idx.msk [tilespmem:v14+s1+$0x0], $0xffff;
	_ =	sdelay $0x4  }
0xd8: {  	v53 =	vsub.s32 v19, v20  }
0xd9: {  	vm14 =	vlt.s32 v17, v53  }
0xda: {  	v20 =	vadd.s32 $0xFFFFFFFF, v20;
	vm15 =	vlt.s32 v16, v53;
	v54 =	vsel vm14, v17, v53  }
0xdb: {  	v21 =	vsel vm15, v16, v53;
	v22 =	vadd.s32 v54, v20  }
0xdc: {  	v20 =	vadd.s32 v21, v20;
	_ =	sdelay $0x3  }
0xdd: {  	v55 =	vld.idx.msk [tilespmem:v22+s16+$0x0], $0xffff  }
0xde: {  	v20 =	vld.idx.msk [tilespmem:v20+s16+$0x0], $0xffff;
	_ =	sdelay $0x4  }
0xdf: {  	v20 =	vsub.f32 v55, v20;
	_ =	sdelay $0x1  }
0xe0: {  	v20 =	vmul.f32 v20, v18;
	_ =	sdelay $0x1  }
0xe1: {  	[tilespmem:$0x6E0] =	vst v20  }
0xe2: {  	v20 =	vld.idx.msk [tilespmem:v15+s1+$0x0], $0xffff;
	_ =	sdelay $0x4  }
0xe3: {  	v20 =	vsub.s32 v20, v19  }
0xe4: {  	vm4 =	vlt.s32 v17, v20  }
0xe5: {  	v19 =	vadd.s32 $0xFFFFFFFF, v19;
	vm5 =	vlt.s32 v16, v20;
	v56 =	vsel vm4, v17, v20  }
0xe6: {  	v20 =	vsel vm5, v16, v20;
	v21 =	vadd.s32 v56, v19  }
0xe7: {  	v19 =	vadd.s32 v20, v19;
	_ =	sdelay $0x3  }
0xe8: {  	v57 =	vld.idx.msk [tilespmem:v21+s16+$0x0], $0xffff  }
0xe9: {  	v19 =	vld.idx.msk [tilespmem:v19+s16+$0x0], $0xffff;
	_ =	sdelay $0x4  }
0xea: {  	v19 =	vsub.f32 v57, v19;
	_ =	sdelay $0x1  }
0xeb: {  	v19 =	vmul.f32 v19, v18;
	_ =	sdelay $0x1  }
0xec: {  	[tilespmem:$0x6F0] =	vst v19  }
0xed: {  	[hbm4b:s9+s12] =	stream.strided.scatter [tilespmem:s18], [sflag:$0x1], $0x100, s15, s12, $0x38;
	[tilespmem:$0x800] =	vst v63  }
0xee: {  	v19 =	vld.msk [tilespmem:s12+$0x0], $0xffff  }
0xef: {  	v58 =	vld.idx.msk [tilespmem:v0+s12+$0x0], $0xffff;
	_ =	sdelay $0x4  }
0xf0: {  	v59 =	vsub.s32 v58, v19  }
0xf1: {  	vm6 =	vlt.s32 v16, v59  }
0xf2: {  	v60 =	vsel vm6, v16, v59  }
0xf3: {  	v22 =	vadd.s32 v19, v60  }
0xf4: {  	vm7 =	vlt.s32 v17, v59;
	v23 =	vadd.s32 $0xFFFFFFFF, v22  }
0xf5: {  	v21 =	vsel vm7, v17, v59;
	vm8 =	vgt.s32 v23, $0x0  }
0xf6: {  	v19 =	vadd.s32 v21, v19;
	v61 =	vnsel vm8, $0x0, v23  }
0xf7: {  	v19 =	vadd.s32 $0xFFFFFFFF, v19;
	_ =	sdelay $0x3  }
0xf8: {  	v21 =	vld.idx.msk [tilespmem:v61+s15+$0x0], $0xffff  }
0xf9: {  	v19 =	vld.idx.msk [tilespmem:v19+s15+$0x0], $0xffff;
	_ =	sdelay $0x2  }
0xfa: {  	vm9 =	vgt.s32 v22, $0x0  }
0xfb: {  	v21 =	vnsel vm9, $0x0, v21  }
0xfc: {  	v19 =	vsub.f32 v19, v21;
	_ =	sdelay $0x1  }
0xfd: {  	v19 =	vmul.f32 v19, v18;
	_ =	sdelay $0x1  }
0xfe: {  	[tilespmem:$0x700] =	vst v19  }
0xff: {  	v19 =	vld.idx.msk [tilespmem:v1+s12+$0x0], $0xffff;
	_ =	sdelay $0x4  }
0x100: {  	v62 =	vsub.s32 v19, v58  }
0x101: {  	vm10 =	vlt.s32 v17, v62  }
0x102: {  	v20 =	vadd.s32 $0xFFFFFFFF, v58;
	vm11 =	vlt.s32 v16, v62;
	v63 =	vsel vm10, v17, v62  }
0x103: {  	v21 =	vsel vm11, v16, v62;
	v22 =	vadd.s32 v63, v20  }
0x104: {  	v20 =	vadd.s32 v21, v20;
	_ =	sdelay $0x3  }
0x105: {  	v24 =	vld.idx.msk [tilespmem:v22+s15+$0x0], $0xffff  }
0x106: {  	v20 =	vld.idx.msk [tilespmem:v20+s15+$0x0], $0xffff;
	_ =	sdelay $0x4  }
0x107: {  	v20 =	vsub.f32 v24, v20;
	_ =	sdelay $0x1  }
0x108: {  	v20 =	vmul.f32 v20, v18;
	_ =	sdelay $0x1  }
0x109: {  	[tilespmem:$0x710] =	vst v20  }
0x10a: {  	v20 =	vld.idx.msk [tilespmem:v2+s12+$0x0], $0xffff;
	_ =	sdelay $0x4  }
0x10b: {  	v25 =	vsub.s32 v20, v19  }
0x10c: {  	vm12 =	vlt.s32 v17, v25  }
0x10d: {  	v19 =	vadd.s32 $0xFFFFFFFF, v19;
	vm13 =	vlt.s32 v16, v25;
	v26 =	vsel vm12, v17, v25  }
0x10e: {  	v21 =	vsel vm13, v16, v25;
	v22 =	vadd.s32 v26, v19  }
0x10f: {  	v19 =	vadd.s32 v21, v19;
	_ =	sdelay $0x3  }
0x110: {  	v27 =	vld.idx.msk [tilespmem:v22+s15+$0x0], $0xffff  }
0x111: {  	v19 =	vld.idx.msk [tilespmem:v19+s15+$0x0], $0xffff;
	_ =	sdelay $0x4  }
0x112: {  	v19 =	vsub.f32 v27, v19;
	_ =	sdelay $0x1  }
0x113: {  	v19 =	vmul.f32 v19, v18;
	_ =	sdelay $0x1  }
0x114: {  	[tilespmem:$0x720] =	vst v19  }
0x115: {  	v19 =	vld.idx.msk [tilespmem:v3+s12+$0x0], $0xffff;
	_ =	sdelay $0x4  }
0x116: {  	v28 =	vsub.s32 v19, v20  }
0x117: {  	vm14 =	vlt.s32 v17, v28  }
0x118: {  	v20 =	vadd.s32 $0xFFFFFFFF, v20;
	vm15 =	vlt.s32 v16, v28;
	v29 =	vsel vm14, v17, v28  }
0x119: {  	v21 =	vsel vm15, v16, v28;
	v22 =	vadd.s32 v29, v20  }
0x11a: {  	v20 =	vadd.s32 v21, v20;
	_ =	sdelay $0x3  }
0x11b: {  	v30 =	vld.idx.msk [tilespmem:v22+s15+$0x0], $0xffff  }
0x11c: {  	v20 =	vld.idx.msk [tilespmem:v20+s15+$0x0], $0xffff;
	_ =	sdelay $0x4  }
0x11d: {  	v20 =	vsub.f32 v30, v20;
	_ =	sdelay $0x1  }
0x11e: {  	v20 =	vmul.f32 v20, v18;
	_ =	sdelay $0x1  }
0x11f: {  	[tilespmem:$0x730] =	vst v20  }
0x120: {  	v20 =	vld.idx.msk [tilespmem:v4+s12+$0x0], $0xffff;
	_ =	sdelay $0x4  }
0x121: {  	v31 =	vsub.s32 v20, v19  }
0x122: {  	vm4 =	vlt.s32 v17, v31  }
0x123: {  	v19 =	vadd.s32 $0xFFFFFFFF, v19;
	vm5 =	vlt.s32 v16, v31;
	v32 =	vsel vm4, v17, v31  }
0x124: {  	v21 =	vsel vm5, v16, v31;
	v22 =	vadd.s32 v32, v19  }
0x125: {  	v19 =	vadd.s32 v21, v19;
	_ =	sdelay $0x3  }
0x126: {  	v33 =	vld.idx.msk [tilespmem:v22+s15+$0x0], $0xffff  }
0x127: {  	v19 =	vld.idx.msk [tilespmem:v19+s15+$0x0], $0xffff;
	_ =	sdelay $0x4  }
0x128: {  	v19 =	vsub.f32 v33, v19;
	_ =	sdelay $0x1  }
0x129: {  	v19 =	vmul.f32 v19, v18;
	_ =	sdelay $0x1  }
0x12a: {  	[tilespmem:$0x740] =	vst v19  }
0x12b: {  	v19 =	vld.idx.msk [tilespmem:v5+s12+$0x0], $0xffff;
	_ =	sdelay $0x4  }
0x12c: {  	v34 =	vsub.s32 v19, v20  }
0x12d: {  	vm6 =	vlt.s32 v17, v34  }
0x12e: {  	v20 =	vadd.s32 $0xFFFFFFFF, v20;
	vm7 =	vlt.s32 v16, v34;
	v35 =	vsel vm6, v17, v34  }
0x12f: {  	v21 =	vsel vm7, v16, v34;
	v22 =	vadd.s32 v35, v20  }
0x130: {  	v20 =	vadd.s32 v21, v20;
	_ =	sdelay $0x3  }
0x131: {  	v36 =	vld.idx.msk [tilespmem:v22+s15+$0x0], $0xffff  }
0x132: {  	v20 =	vld.idx.msk [tilespmem:v20+s15+$0x0], $0xffff;
	_ =	sdelay $0x4  }
0x133: {  	v20 =	vsub.f32 v36, v20;
	_ =	sdelay $0x1  }
0x134: {  	v20 =	vmul.f32 v20, v18;
	_ =	sdelay $0x1  }
0x135: {  	[tilespmem:$0x750] =	vst v20  }
0x136: {  	v20 =	vld.idx.msk [tilespmem:v6+s12+$0x0], $0xffff;
	_ =	sdelay $0x4  }
0x137: {  	v37 =	vsub.s32 v20, v19  }
0x138: {  	vm8 =	vlt.s32 v17, v37  }
0x139: {  	v19 =	vadd.s32 $0xFFFFFFFF, v19;
	vm9 =	vlt.s32 v16, v37;
	v38 =	vsel vm8, v17, v37  }
0x13a: {  	v21 =	vsel vm9, v16, v37;
	v22 =	vadd.s32 v38, v19  }
0x13b: {  	v19 =	vadd.s32 v21, v19;
	_ =	sdelay $0x3  }
0x13c: {  	v39 =	vld.idx.msk [tilespmem:v22+s15+$0x0], $0xffff  }
0x13d: {  	v19 =	vld.idx.msk [tilespmem:v19+s15+$0x0], $0xffff;
	_ =	sdelay $0x4  }
0x13e: {  	v19 =	vsub.f32 v39, v19;
	_ =	sdelay $0x1  }
0x13f: {  	v19 =	vmul.f32 v19, v18;
	_ =	sdelay $0x1  }
0x140: {  	[tilespmem:$0x760] =	vst v19  }
0x141: {  	v19 =	vld.idx.msk [tilespmem:v7+s12+$0x0], $0xffff;
	_ =	sdelay $0x4  }
0x142: {  	v40 =	vsub.s32 v19, v20  }
0x143: {  	vm10 =	vlt.s32 v17, v40  }
0x144: {  	v20 =	vadd.s32 $0xFFFFFFFF, v20;
	vm11 =	vlt.s32 v16, v40;
	v41 =	vsel vm10, v17, v40  }
0x145: {  	v21 =	vsel vm11, v16, v40;
	v22 =	vadd.s32 v41, v20  }
0x146: {  	v20 =	vadd.s32 v21, v20;
	_ =	sdelay $0x3  }
0x147: {  	v42 =	vld.idx.msk [tilespmem:v22+s15+$0x0], $0xffff  }
0x148: {  	v20 =	vld.idx.msk [tilespmem:v20+s15+$0x0], $0xffff;
	_ =	sdelay $0x4  }
0x149: {  	v20 =	vsub.f32 v42, v20;
	_ =	sdelay $0x1  }
0x14a: {  	v20 =	vmul.f32 v20, v18;
	_ =	sdelay $0x1  }
0x14b: {  	[tilespmem:$0x770] =	vst v20  }
0x14c: {  	v20 =	vld.idx.msk [tilespmem:v8+s12+$0x0], $0xffff;
	_ =	sdelay $0x4  }
0x14d: {  	v43 =	vsub.s32 v20, v19  }
0x14e: {  	vm12 =	vlt.s32 v17, v43  }
0x14f: {  	v19 =	vadd.s32 $0xFFFFFFFF, v19;
	vm13 =	vlt.s32 v16, v43;
	v44 =	vsel vm12, v17, v43  }
0x150: {  	v21 =	vsel vm13, v16, v43;
	v22 =	vadd.s32 v44, v19  }
0x151: {  	v19 =	vadd.s32 v21, v19;
	_ =	sdelay $0x3  }
0x152: {  	v45 =	vld.idx.msk [tilespmem:v22+s15+$0x0], $0xffff  }
0x153: {  	v19 =	vld.idx.msk [tilespmem:v19+s15+$0x0], $0xffff;
	_ =	sdelay $0x4  }
0x154: {  	v19 =	vsub.f32 v45, v19;
	_ =	sdelay $0x1  }
0x155: {  	v19 =	vmul.f32 v19, v18;
	_ =	sdelay $0x1  }
0x156: {  	[tilespmem:$0x780] =	vst v19  }
0x157: {  	v19 =	vld.idx.msk [tilespmem:v9+s12+$0x0], $0xffff;
	_ =	sdelay $0x4  }
0x158: {  	v46 =	vsub.s32 v19, v20  }
0x159: {  	vm14 =	vlt.s32 v17, v46  }
0x15a: {  	v20 =	vadd.s32 $0xFFFFFFFF, v20;
	vm15 =	vlt.s32 v16, v46;
	v47 =	vsel vm14, v17, v46  }
0x15b: {  	v21 =	vsel vm15, v16, v46;
	v22 =	vadd.s32 v47, v20  }
0x15c: {  	v20 =	vadd.s32 v21, v20;
	_ =	sdelay $0x3  }
0x15d: {  	v48 =	vld.idx.msk [tilespmem:v22+s15+$0x0], $0xffff  }
0x15e: {  	v20 =	vld.idx.msk [tilespmem:v20+s15+$0x0], $0xffff;
	_ =	sdelay $0x4  }
0x15f: {  	v20 =	vsub.f32 v48, v20;
	_ =	sdelay $0x1  }
0x160: {  	v20 =	vmul.f32 v20, v18;
	_ =	sdelay $0x1  }
0x161: {  	[tilespmem:$0x790] =	vst v20  }
0x162: {  	v20 =	vld.idx.msk [tilespmem:v10+s12+$0x0], $0xffff;
	_ =	sdelay $0x4  }
0x163: {  	v49 =	vsub.s32 v20, v19  }
0x164: {  	vm4 =	vlt.s32 v17, v49  }
0x165: {  	v19 =	vadd.s32 $0xFFFFFFFF, v19;
	vm5 =	vlt.s32 v16, v49;
	v50 =	vsel vm4, v17, v49  }
0x166: {  	v21 =	vsel vm5, v16, v49;
	v22 =	vadd.s32 v50, v19  }
0x167: {  	v19 =	vadd.s32 v21, v19;
	_ =	sdelay $0x3  }
0x168: {  	v51 =	vld.idx.msk [tilespmem:v22+s15+$0x0], $0xffff  }
0x169: {  	v19 =	vld.idx.msk [tilespmem:v19+s15+$0x0], $0xffff;
	_ =	sdelay $0x4  }
0x16a: {  	v19 =	vsub.f32 v51, v19;
	_ =	sdelay $0x1  }
0x16b: {  	v19 =	vmul.f32 v19, v18;
	_ =	sdelay $0x1  }
0x16c: {  	[tilespmem:$0x7A0] =	vst v19  }
0x16d: {  	v19 =	vld.idx.msk [tilespmem:v11+s12+$0x0], $0xffff;
	_ =	sdelay $0x4  }
0x16e: {  	v52 =	vsub.s32 v19, v20  }
0x16f: {  	vm6 =	vlt.s32 v17, v52  }
0x170: {  	v20 =	vadd.s32 $0xFFFFFFFF, v20;
	vm7 =	vlt.s32 v16, v52;
	v53 =	vsel vm6, v17, v52  }
0x171: {  	v21 =	vsel vm7, v16, v52;
	v22 =	vadd.s32 v53, v20  }
0x172: {  	v20 =	vadd.s32 v21, v20;
	_ =	sdelay $0x3  }
0x173: {  	v54 =	vld.idx.msk [tilespmem:v22+s15+$0x0], $0xffff  }
0x174: {  	v20 =	vld.idx.msk [tilespmem:v20+s15+$0x0], $0xffff;
	_ =	sdelay $0x4  }
0x175: {  	v20 =	vsub.f32 v54, v20;
	_ =	sdelay $0x1  }
0x176: {  	v20 =	vmul.f32 v20, v18;
	_ =	sdelay $0x1  }
0x177: {  	[tilespmem:$0x7B0] =	vst v20  }
0x178: {  	v20 =	vld.idx.msk [tilespmem:v12+s12+$0x0], $0xffff;
	_ =	sdelay $0x4  }
0x179: {  	v55 =	vsub.s32 v20, v19  }
0x17a: {  	vm8 =	vlt.s32 v17, v55  }
0x17b: {  	v19 =	vadd.s32 $0xFFFFFFFF, v19;
	vm9 =	vlt.s32 v16, v55;
	v56 =	vsel vm8, v17, v55  }
0x17c: {  	v21 =	vsel vm9, v16, v55;
	v22 =	vadd.s32 v56, v19  }
0x17d: {  	v19 =	vadd.s32 v21, v19;
	_ =	sdelay $0x3  }
0x17e: {  	v57 =	vld.idx.msk [tilespmem:v22+s15+$0x0], $0xffff  }
0x17f: {  	v19 =	vld.idx.msk [tilespmem:v19+s15+$0x0], $0xffff;
	_ =	sdelay $0x4  }
0x180: {  	v19 =	vsub.f32 v57, v19;
	_ =	sdelay $0x1  }
0x181: {  	v19 =	vmul.f32 v19, v18;
	_ =	sdelay $0x1  }
0x182: {  	[tilespmem:$0x7C0] =	vst v19  }
0x183: {  	v19 =	vld.idx.msk [tilespmem:v13+s12+$0x0], $0xffff;
	_ =	sdelay $0x4  }
0x184: {  	v58 =	vsub.s32 v19, v20  }
0x185: {  	vm10 =	vlt.s32 v17, v58  }
0x186: {  	v20 =	vadd.s32 $0xFFFFFFFF, v20;
	vm11 =	vlt.s32 v16, v58;
	v59 =	vsel vm10, v17, v58  }
0x187: {  	v21 =	vsel vm11, v16, v58;
	v22 =	vadd.s32 v59, v20  }
0x188: {  	v20 =	vadd.s32 v21, v20;
	_ =	sdelay $0x3  }
0x189: {  	v60 =	vld.idx.msk [tilespmem:v22+s15+$0x0], $0xffff  }
0x18a: {  	v20 =	vld.idx.msk [tilespmem:v20+s15+$0x0], $0xffff;
	_ =	sdelay $0x4  }
0x18b: {  	v20 =	vsub.f32 v60, v20;
	_ =	sdelay $0x1  }
0x18c: {  	v20 =	vmul.f32 v20, v18;
	_ =	sdelay $0x1  }
0x18d: {  	[tilespmem:$0x7D0] =	vst v20  }
0x18e: {  	v20 =	vld.idx.msk [tilespmem:v14+s12+$0x0], $0xffff;
	_ =	sdelay $0x4  }
0x18f: {  	v61 =	vsub.s32 v20, v19  }
0x190: {  	vm12 =	vlt.s32 v17, v61  }
0x191: {  	v19 =	vadd.s32 $0xFFFFFFFF, v19;
	vm13 =	vlt.s32 v16, v61;
	v62 =	vsel vm12, v17, v61  }
0x192: {  	v21 =	vsel vm13, v16, v61;
	v22 =	vadd.s32 v62, v19  }
0x193: {  	v19 =	vadd.s32 v21, v19;
	_ =	sdelay $0x3  }
0x194: {  	v63 =	vld.idx.msk [tilespmem:v22+s15+$0x0], $0xffff  }
0x195: {  	v19 =	vld.idx.msk [tilespmem:v19+s15+$0x0], $0xffff;
	_ =	sdelay $0x4  }
0x196: {  	v19 =	vsub.f32 v63, v19;
	_ =	sdelay $0x1  }
0x197: {  	v19 =	vmul.f32 v19, v18;
	_ =	sdelay $0x1  }
0x198: {  	[tilespmem:$0x7E0] =	vst v19  }
0x199: {  	v19 =	vld.idx.msk [tilespmem:v15+s12+$0x0], $0xffff;
	_ =	sdelay $0x4  }
0x19a: {  	v19 =	vsub.s32 v19, v20  }
0x19b: {  	vm14 =	vlt.s32 v17, v19  }
0x19c: {  	v20 =	vadd.s32 $0xFFFFFFFF, v20;
	vm15 =	vlt.s32 v16, v19;
	v17 =	vsel vm14, v17, v19  }
0x19d: {  	v16 =	vsel vm15, v16, v19;
	v17 =	vadd.s32 v17, v20  }
0x19e: {  	v16 =	vadd.s32 v16, v20;
	_ =	sdelay $0x3  }
0x19f: {  	v17 =	vld.idx.msk [tilespmem:v17+s15+$0x0], $0xffff  }
0x1a0: {  	v16 =	vld.idx.msk [tilespmem:v16+s15+$0x0], $0xffff;
	_ =	sdelay $0x4  }
0x1a1: {  	v16 =	vsub.f32 v17, v16;
	_ =	sdelay $0x1  }
0x1a2: {  	v16 =	vmul.f32 v16, v18;
	_ =	sdelay $0x1  }
0x1a3: {  	s19 =	simm.s32 @!p0 $0x80;
	s20 =	simm.s32 @!p0 $0x400;
	s21 =	simm.s32 @!p0 $0x700;
	[tilespmem:$0x7F0] =	vst v16  }
0x1a4: {  	[hbm4b:s10+s19] =	stream.strided.scatter @!p0 [tilespmem:s21], [sflag:$0x1], $0x100, s20, s19, $0x38;
	[tilespmem:$0x800] =	vst v63  }
0x1a5: {  	s11 =	sadd.s32 $0xFFFFFFFF, s11;
	s19 =	simm.s32 @!p0 $0x1  }
0x1a6: {  	p1 =	sne.s32 s11, $0x0;
	_ =	swait.ge @!p0 [sflag:s19], $0x100  }
.Ltmp0:
0x1a7: {  	[sflag:s19] =	ssyncset.done @!p0 $0x0;
	(pc) =	sbr.rel @p1 .LBB2_1-.Ltmp0, $4  }
0x1a8: {  	[sflag:s19] =	ssyncadd.s32 @!p0 $0xFFFFFF00  }
0x1a9: {  	_ =	swait.ge [sflag:s17], $0x100  }
0x1aa: {  	[sflag:s17] =	ssyncset.done $0x0  }
0x1ab: {  	[sflag:s17] =	ssyncadd.s32 $0xFFFFFF00  }
0x1ac: {  	_ =	sfence.sel $0x180000  }
0x1ad: {  	[bflag:$0x0] =	sbarrier.arrive $0xFFFF  }
0x1ae: {  	p0 =	sne.s32 s2, $0x0;
	_ =	strace $0x90000047  }
0x1af: {  	s0 =	sadd.s32 @!p0 $0x100000, s0;
	[bflag:$0x2] =	sbarrier.arrive $0xFFFF  }
0x1b0: {  	[sflag:s0] =	ssyncadd.tile.s32 @!p0 $0x1;
	_ =	shalt  }
.Lfunc_end2:
_tile_overlayer_lowered:
.L_overlay_start_2:
0x1b1: {  	(tag) =	ssettag $0x2  }
0x1b2: {  	s0 =	rddreg [dreg:$0x0];
	s2 =	stileid.u32  }
0x1b3: {  	s1 =	rddreg [dreg:$0x1];
	p0 =	sne.s32 s2, $0x0  }
0x1b4: {  	s3 =	rddreg [dreg:$0x2];
	[bflag:$0x3] =	sbarrier.arrive $0xFFFF;
	s2 =	simm.s32 @!p0 $0x1C02  }
0x1b5: {  	[timem:s3], [sflag:s2] =	dma.local @!p0 [hbm:s0], s1  }
0x1b6: {  	s0 =	simm.s32 @!p0 $0x2  }
0x1b7: {  	_ =	swait.ge @!p0 [sflag:s0], s1  }
0x1b8: {  	s1 =	ssub.s32 @!p0 $0x0, s1;
	[sflag:s0] =	ssyncset.done @!p0 $0x0  }
0x1b9: {  	[sflag:s0] =	ssyncadd.s32 @!p0 s1  }
0x1ba: {  	[bflag:$0x3] =	sbarrier.arrive $0xFFFF  }
0x1bb: {  	_ =	shalt  }

</sc_bundles>
